<compile_context>
chip_gen: v7x
topology: tpu7x:2x2x1
jax: 0.10.2.dev20260603
libtpu: 0.0.44.dev20260713+nightly
codegen_flags: <defaults>
</compile_context>

<pallas_src>
import functools

import jax
import jax.numpy as jnp
from jax import lax
from jax.experimental import pallas as pl
from jax.experimental.pallas import tpu as pltpu
from jax.experimental.pallas import tpu_sc as plsc

N_THETA = 181
N_PHI = 360
PHI_PERIOD = 360.0
GRID_N = N_THETA * N_PHI

NC = 2
NS = 16
L = 16
NW = NC * NS


def _build_interp(n_total: int, chunk: int, unroll: int):
  assert n_total % (NW * chunk) == 0
  per_w = n_total // NW
  n_chunks = per_w // chunk
  assert n_chunks % 2 == 0 and chunk % (unroll * L) == 0

  mesh = plsc.VectorSubcoreMesh(
      core_axis_name="c", subcore_axis_name="s", num_cores=NC, num_subcores=NS
  )

  def body(th_hbm, ph_hbm, grid_hbm, par_hbm, out_hbm,
           grid_v, par_v, th0_v, th1_v, ph0_v, ph1_v, out0_v, out1_v,
           th0_sem, th1_sem, ph0_sem, ph1_sem, out0_sem, out1_sem):
    wid = lax.axis_index("s") * NC + lax.axis_index("c")
    base = wid * per_w
    th_bufs = (th0_v, th1_v)
    ph_bufs = (ph0_v, ph1_v)
    out_bufs = (out0_v, out1_v)
    th_sems = (th0_sem, th1_sem)
    ph_sems = (ph0_sem, ph1_sem)
    out_sems = (out0_sem, out1_sem)

    def fire_in(ci, b):
      off = base + ci * chunk
      pltpu.async_copy(th_hbm.at[pl.ds(off, chunk)], th_bufs[b], th_sems[b])
      pltpu.async_copy(ph_hbm.at[pl.ds(off, chunk)], ph_bufs[b], ph_sems[b])

    def wait_in(b):
      pltpu.make_async_copy(
          th_hbm.at[pl.ds(0, chunk)], th_bufs[b], th_sems[b]).wait()
      pltpu.make_async_copy(
          ph_hbm.at[pl.ds(0, chunk)], ph_bufs[b], ph_sems[b]).wait()

    def fire_out(ci, b):
      off = base + ci * chunk
      pltpu.async_copy(out_bufs[b], out_hbm.at[pl.ds(off, chunk)],
                       out_sems[b])

    def wait_out(b):
      pltpu.make_async_copy(
          out_bufs[b], out_hbm.at[pl.ds(0, chunk)], out_sems[b]).wait()

    fire_in(0, 0)
    pltpu.sync_copy(grid_hbm, grid_v)
    pltpu.sync_copy(par_hbm, par_v)
    tc0 = par_v[pl.ds(0, L)]
    tcL = par_v[pl.ds(L, L)]
    inv_dt = par_v[pl.ds(2 * L, L)]
    pc0 = par_v[pl.ds(3 * L, L)]
    pcL = par_v[pl.ds(4 * L, L)]
    inv_dp = par_v[pl.ds(5 * L, L)]

    def compute(b):
      thb = th_bufs[b]
      phb = ph_bufs[b]
      outb = out_bufs[b]

      @plsc.parallel_loop(0, chunk, step=L, unroll=unroll)
      def _vec(i):
        s = pl.ds(i, L)
        th = thb[s]
        ph = phb[s]
        thc = jnp.minimum(jnp.maximum(th, tc0), tcL)
        ut = (thc - tc0) * inv_dt
        it0 = jnp.minimum(ut.astype(jnp.int32), N_THETA - 2)
        tt = ut - it0.astype(jnp.float32)
        q = (ph - pc0) * (1.0 / PHI_PERIOD) + 4.0
        k = q.astype(jnp.int32).astype(jnp.float32) - 4.0
        wr = ph - k * PHI_PERIOD
        phc = jnp.minimum(jnp.maximum(wr, pc0), pcL)
        up = (phc - pc0) * inv_dp
        ip0 = jnp.minimum(up.astype(jnp.int32), N_PHI - 2)
        tp = up - ip0.astype(jnp.float32)
        f00 = it0 * N_PHI + ip0
        a = plsc.load_gather(grid_v, [f00])
        bb = plsc.load_gather(grid_v, [f00 + 1])
        c = plsc.load_gather(grid_v, [f00 + N_PHI])
        d = plsc.load_gather(grid_v, [f00 + (N_PHI + 1)])
        e0 = a + tp * (bb - a)
        e1 = c + tp * (d - c)
        outb[s] = e0 + tt * (e1 - e0)

    def group_fn(g, carry):
      for b in range(2):
        ci = 2 * g + b
        wait_in(b)
        pl.when(ci + 1 < n_chunks)(lambda: fire_in(ci + 1, 1 - b))
        pl.when(ci >= 2)(lambda: wait_out(b))
        compute(b)
        fire_out(ci, b)
      return carry

    lax.fori_loop(0, n_chunks // 2, group_fn, 0)
    wait_out(0)
    wait_out(1)

  return pl.kernel(
      body,
      out_type=jax.ShapeDtypeStruct((n_total,), jnp.float32),
      mesh=mesh,
      compiler_params=pltpu.CompilerParams(needs_layout_passes=False),
      scratch_types=[
          pltpu.VMEM((GRID_N,), jnp.float32),
          pltpu.VMEM((6 * L,), jnp.float32),
          pltpu.VMEM((chunk,), jnp.float32),
          pltpu.VMEM((chunk,), jnp.float32),
          pltpu.VMEM((chunk,), jnp.float32),
          pltpu.VMEM((chunk,), jnp.float32),
          pltpu.VMEM((chunk,), jnp.float32),
          pltpu.VMEM((chunk,), jnp.float32),
          pltpu.SemaphoreType.DMA,
          pltpu.SemaphoreType.DMA,
          pltpu.SemaphoreType.DMA,
          pltpu.SemaphoreType.DMA,
          pltpu.SemaphoreType.DMA,
          pltpu.SemaphoreType.DMA,
      ],
  )


@jax.jit
def kernel(theta_deg, phi_deg, energy_grid, theta_centers, phi_centers):
  orig_shape = theta_deg.shape
  th = theta_deg.reshape(-1)
  ph = phi_deg.reshape(-1)
  grid = energy_grid.reshape(-1)
  tc, pc = theta_centers, phi_centers
  scalars = (tc[0], tc[-1], 1.0 / (tc[1] - tc[0]),
             pc[0], pc[-1], 1.0 / (pc[1] - pc[0]))
  params = jnp.concatenate(
      [jnp.full((L,), s, dtype=jnp.float32) for s in scalars])
  interp = _build_interp(th.shape[0], 6400, 8)
  out = interp(th, ph, grid, params)
  return out.reshape(orig_shape)

# --- scband reference (transcript-rebuilt; emitter-appended) ---
"""Pipeline reference for scband-basin-potential-58256936403297 (READ-ONLY COPY).

The authoritative reference and input builder live on the scoring server;
editing this copy changes nothing except your own understanding.
"""

import jax, jax.numpy as jnp
import numpy as np

N_THETA = 181
N_PHI = 360
PHI_PERIOD = 360.0


def setup_inputs(seed: int = 0) -> dict:
    key = jax.random.key(seed)
    k1, k2, k3 = jax.random.split(key, 3)
    # query angles: theta in [0, 180), phi in [-360, 360) to exercise periodic wrapping
    theta_deg = jax.random.uniform(k1, (16384, 200), dtype=jnp.float32) * 180.0
    phi_deg = jax.random.uniform(k2, (16384, 200), dtype=jnp.float32) * 720.0 - 360.0
    # tabulated grid buffers (as produced by __init__ from histogram + edges)
    theta_edges = np.linspace(0.0, 180.0, N_THETA + 1, dtype=np.float32)
    phi_edges = np.linspace(-180.0, 180.0, N_PHI + 1, dtype=np.float32)
    theta_centers = jnp.asarray(0.5 * (theta_edges[:-1] + theta_edges[1:]), dtype=jnp.float32)
    phi_centers = jnp.asarray(0.5 * (phi_edges[:-1] + phi_edges[1:]), dtype=jnp.float32)
    energy_grid = jax.random.uniform(k3, (N_THETA, N_PHI), dtype=jnp.float32) * 10.0
    return {
        "theta_deg": theta_deg,
        "phi_deg": phi_deg,
        "energy_grid": energy_grid,
        "theta_centers": theta_centers,
        "phi_centers": phi_centers,
    }


def reference(theta_deg, phi_deg, energy_grid, theta_centers, phi_centers):
    tc, pc, E = theta_centers, phi_centers, energy_grid
    n_theta, n_phi = E.shape
    orig_shape = theta_deg.shape
    theta_flat = theta_deg.reshape(-1)
    phi_flat = phi_deg.reshape(-1)
    # clamp theta to grid range
    theta_clamped = jnp.clip(theta_flat, tc[0], tc[-1])
    # periodic wrap of phi (phi span 359 deg >= 300 -> periodic with period 360)
    phi_min = pc[0]
    phi_wrapped = jnp.remainder(phi_flat - phi_min, PHI_PERIOD) + phi_min
    phi_clamped = jnp.clip(phi_wrapped, pc[0], pc[-1])
    # theta bilinear coordinates
    dt = tc[1] - tc[0]
    ut = (theta_clamped - tc[0]) / dt
    it0 = jnp.clip(jnp.floor(ut).astype(jnp.int32), 0, n_theta - 2)
    tt = jnp.clip(ut - it0.astype(jnp.float32), 0.0, 1.0)
    it1 = jnp.clip(it0 + 1, 0, n_theta - 1)
    # phi bilinear coordinates
    dp = pc[1] - pc[0]
    up = (phi_clamped - pc[0]) / dp
    ip0 = jnp.clip(jnp.floor(up).astype(jnp.int32), 0, n_phi - 2)
    tp = jnp.clip(up - ip0.astype(jnp.float32), 0.0, 1.0)
    ip1 = jnp.clip(ip0 + 1, 0, n_phi - 1)
    # 4-corner gather + bilinear blend
    val = ((1.0 - tt) * (1.0 - tp) * E[it0, ip0]
           + (1.0 - tt) * tp * E[it0, ip1]
           + tt * (1.0 - tp) * E[it1, ip0]
           + tt * tp * E[it1, ip1])
    return val.reshape(orig_shape)

if __name__ == "__main__":
    import jax
    _d = setup_inputs()
    print(jax.jit(kernel)(*tuple(_d.values())))

</pallas_src>

<mosaic_0001>
#map = affine_map<(d0, d1) -> (0)>
module attributes {stable_mosaic.version = 14 : i64} {
  func.func @body(%arg0: i32, %arg1: i32, %arg2: memref<3276800xf32, #tpu.memory_space<hbm>>, %arg3: memref<3276800xf32, #tpu.memory_space<hbm>>, %arg4: memref<65160xf32, #tpu.memory_space<hbm>>, %arg5: memref<96xf32, #tpu.memory_space<hbm>>, %arg6: memref<3276800xf32, #tpu.memory_space<hbm>>, %arg7: memref<65160xf32, #tpu.memory_space<vmem>>, %arg8: memref<96xf32, #tpu.memory_space<vmem>>, %arg9: memref<6400xf32, #tpu.memory_space<vmem>>, %arg10: memref<6400xf32, #tpu.memory_space<vmem>>, %arg11: memref<6400xf32, #tpu.memory_space<vmem>>, %arg12: memref<6400xf32, #tpu.memory_space<vmem>>, %arg13: memref<6400xf32, #tpu.memory_space<vmem>>, %arg14: memref<6400xf32, #tpu.memory_space<vmem>>, %arg15: memref<!tpu.dma_semaphore, #tpu.memory_space<semaphore_mem>>, %arg16: memref<!tpu.dma_semaphore, #tpu.memory_space<semaphore_mem>>, %arg17: memref<!tpu.dma_semaphore, #tpu.memory_space<semaphore_mem>>, %arg18: memref<!tpu.dma_semaphore, #tpu.memory_space<semaphore_mem>>, %arg19: memref<!tpu.dma_semaphore, #tpu.memory_space<semaphore_mem>>, %arg20: memref<!tpu.dma_semaphore, #tpu.memory_space<semaphore_mem>>) attributes {dimension_semantics = [#tpu.dimension_semantics<core_parallel>, #tpu.dimension_semantics<subcore_parallel>], iteration_bounds = array<i64: 2, 16>, scalar_prefetch = 0 : i64, scratch_operands = 14 : i64, tpu.core_type = #tpu.core_type<sc_vector_subcore>, window_params = [{transform_indices = #map}, {transform_indices = #map}, {transform_indices = #map}, {transform_indices = #map}, {transform_indices = #map}]} {
    %mul3A = arith.constant 2 : i32
    %mul3A_0 = arith.muli %arg1, %mul3A : i32
    %add3A = arith.addi %mul3A_0, %arg0 : i32
    %mul3A_1 = arith.constant 102400 : i32
    %mul3A_2 = arith.muli %add3A, %mul3A_1 : i32
    %add3A_3 = arith.constant 0 : i32
    %add3A_4 = arith.addi %mul3A_2, %add3A_3 : i32
    %dma_start3A = tpu.memref_slice %arg2[%add3A_4] : memref<3276800xf32, #tpu.memory_space<hbm>> -> memref<6400xf32, #tpu.memory_space<hbm>>
    %dma_start3A_5 = tpu.memref_slice %arg2[%add3A_4] : memref<3276800xf32, #tpu.memory_space<hbm>> -> memref<6400xf32, #tpu.memory_space<hbm>>
    tpu.enqueue_dma source(%dma_start3A_5 : memref<6400xf32, #tpu.memory_space<hbm>>) target(%arg9 : memref<6400xf32, #tpu.memory_space<vmem>>) target_semaphore(%arg15 : memref<!tpu.dma_semaphore, #tpu.memory_space<semaphore_mem>>)
    %dma_start3A_6 = tpu.memref_slice %arg3[%add3A_4] : memref<3276800xf32, #tpu.memory_space<hbm>> -> memref<6400xf32, #tpu.memory_space<hbm>>
    %dma_start3A_7 = tpu.memref_slice %arg3[%add3A_4] : memref<3276800xf32, #tpu.memory_space<hbm>> -> memref<6400xf32, #tpu.memory_space<hbm>>
    tpu.enqueue_dma source(%dma_start3A_7 : memref<6400xf32, #tpu.memory_space<hbm>>) target(%arg11 : memref<6400xf32, #tpu.memory_space<vmem>>) target_semaphore(%arg17 : memref<!tpu.dma_semaphore, #tpu.memory_space<semaphore_mem>>)
    "tpu.region"() ({
      %run_scoped3A = tpu.sem_alloc : memref<!tpu.dma_semaphore, #tpu.memory_space<semaphore_mem>>
      tpu.enqueue_dma source(%arg4 : memref<65160xf32, #tpu.memory_space<hbm>>) target(%arg7 : memref<65160xf32, #tpu.memory_space<vmem>>) target_semaphore(%run_scoped3A : memref<!tpu.dma_semaphore, #tpu.memory_space<semaphore_mem>>)
      tpu.wait_dma2 semaphore(%run_scoped3A : memref<!tpu.dma_semaphore, #tpu.memory_space<semaphore_mem>>) src(%arg4 : memref<65160xf32, #tpu.memory_space<hbm>>) dst(%arg7 : memref<65160xf32, #tpu.memory_space<vmem>>)
      tpu.yield
    }) : () -> ()
    "tpu.region"() ({
      %run_scoped3A = tpu.sem_alloc : memref<!tpu.dma_semaphore, #tpu.memory_space<semaphore_mem>>
      tpu.enqueue_dma source(%arg5 : memref<96xf32, #tpu.memory_space<hbm>>) target(%arg8 : memref<96xf32, #tpu.memory_space<vmem>>) target_semaphore(%run_scoped3A : memref<!tpu.dma_semaphore, #tpu.memory_space<semaphore_mem>>)
      tpu.wait_dma2 semaphore(%run_scoped3A : memref<!tpu.dma_semaphore, #tpu.memory_space<semaphore_mem>>) src(%arg5 : memref<96xf32, #tpu.memory_space<hbm>>) dst(%arg8 : memref<96xf32, #tpu.memory_space<vmem>>)
      tpu.yield
    }) : () -> ()
    %get3A = arith.constant 0 : index
    %get3A_8 = tpu.vector_load %arg8[%get3A] {strides = array<i32>} : memref<96xf32, #tpu.memory_space<vmem>>, vector<16xf32>,
    %get3A_9 = arith.constant 16 : index
    %get3A_10 = tpu.vector_load %arg8[%get3A_9] {strides = array<i32>} : memref<96xf32, #tpu.memory_space<vmem>>, vector<16xf32>,
    %get3A_11 = arith.constant 32 : index
    %get3A_12 = tpu.vector_load %arg8[%get3A_11] {strides = array<i32>} : memref<96xf32, #tpu.memory_space<vmem>>, vector<16xf32>,
    %get3A_13 = arith.constant 48 : index
    %get3A_14 = tpu.vector_load %arg8[%get3A_13] {strides = array<i32>} : memref<96xf32, #tpu.memory_space<vmem>>, vector<16xf32>,
    %get3A_15 = arith.constant 64 : index
    %get3A_16 = tpu.vector_load %arg8[%get3A_15] {strides = array<i32>} : memref<96xf32, #tpu.memory_space<vmem>>, vector<16xf32>,
    %get3A_17 = arith.constant 80 : index
    %get3A_18 = tpu.vector_load %arg8[%get3A_17] {strides = array<i32>} : memref<96xf32, #tpu.memory_space<vmem>>, vector<16xf32>,
    %scan3A = arith.constant 0 : i32
    %scan3A_19 = arith.constant 0 : i32
    %scan3A_20 = arith.constant 8 : i32
    %scan3A_21 = arith.addi %scan3A_19, %scan3A_20 : i32
    %scan3A_22 = arith.constant 1 : i32
    scf.for %scan3A_31 = %scan3A_19 to %scan3A_21 step %scan3A_22  : i32 {
      %mul3A_32 = arith.constant 2 : i32
      %mul3A_33 = arith.muli %mul3A_32, %scan3A_31 : i32
      %add3A_34 = arith.constant 0 : i32
      %add3A_35 = arith.addi %mul3A_33, %add3A_34 : i32
      %dma_wait3A_36 = arith.constant 0 : i32
      %dma_wait3A_37 = tpu.memref_slice %arg2[%dma_wait3A_36] : memref<3276800xf32, #tpu.memory_space<hbm>> -> memref<6400xf32, #tpu.memory_space<hbm>>
      %dma_wait3A_38 = arith.constant 0 : i32
      %dma_wait3A_39 = tpu.memref_slice %arg2[%dma_wait3A_38] : memref<3276800xf32, #tpu.memory_space<hbm>> -> memref<6400xf32, #tpu.memory_space<hbm>>
      tpu.wait_dma2 semaphore(%arg15 : memref<!tpu.dma_semaphore, #tpu.memory_space<semaphore_mem>>) src(%dma_wait3A_39 : memref<6400xf32, #tpu.memory_space<hbm>>) dst(%arg9 : memref<6400xf32, #tpu.memory_space<vmem>>)
      %dma_wait3A_40 = arith.constant 0 : i32
      %dma_wait3A_41 = tpu.memref_slice %arg3[%dma_wait3A_40] : memref<3276800xf32, #tpu.memory_space<hbm>> -> memref<6400xf32, #tpu.memory_space<hbm>>
      %dma_wait3A_42 = arith.constant 0 : i32
      %dma_wait3A_43 = tpu.memref_slice %arg3[%dma_wait3A_42] : memref<3276800xf32, #tpu.memory_space<hbm>> -> memref<6400xf32, #tpu.memory_space<hbm>>
      tpu.wait_dma2 semaphore(%arg17 : memref<!tpu.dma_semaphore, #tpu.memory_space<semaphore_mem>>) src(%dma_wait3A_43 : memref<6400xf32, #tpu.memory_space<hbm>>) dst(%arg11 : memref<6400xf32, #tpu.memory_space<vmem>>)
      %add3A_44 = arith.constant 1 : i32
      %add3A_45 = arith.addi %add3A_35, %add3A_44 : i32
      %lt3A = arith.constant 16 : i32
      %lt3A_46 = arith.cmpi slt, %add3A_45, %lt3A : i32
      %convert_element_type3A = arith.extui %lt3A_46 : i1 to i32
      %cond3A = arith.constant 0 : i32
      %cond3A_47 = arith.cmpi ne, %convert_element_type3A, %cond3A : i32
      scf.if %cond3A_47 {
        %add3A_91 = arith.constant 1 : i32
        %add3A_92 = arith.addi %add3A_35, %add3A_91 : i32
        %mul3A_93 = arith.constant 6400 : i32
        %mul3A_94 = arith.muli %add3A_92, %mul3A_93 : i32
        %add3A_95 = arith.addi %mul3A_2, %mul3A_94 : i32
        %dma_start3A_96 = tpu.memref_slice %arg2[%add3A_95] : memref<3276800xf32, #tpu.memory_space<hbm>> -> memref<6400xf32, #tpu.memory_space<hbm>>
        %dma_start3A_97 = tpu.memref_slice %arg2[%add3A_95] : memref<3276800xf32, #tpu.memory_space<hbm>> -> memref<6400xf32, #tpu.memory_space<hbm>>
        tpu.enqueue_dma source(%dma_start3A_97 : memref<6400xf32, #tpu.memory_space<hbm>>) target(%arg10 : memref<6400xf32, #tpu.memory_space<vmem>>) target_semaphore(%arg16 : memref<!tpu.dma_semaphore, #tpu.memory_space<semaphore_mem>>)
        %dma_start3A_98 = tpu.memref_slice %arg3[%add3A_95] : memref<3276800xf32, #tpu.memory_space<hbm>> -> memref<6400xf32, #tpu.memory_space<hbm>>
        %dma_start3A_99 = tpu.memref_slice %arg3[%add3A_95] : memref<3276800xf32, #tpu.memory_space<hbm>> -> memref<6400xf32, #tpu.memory_space<hbm>>
        tpu.enqueue_dma source(%dma_start3A_99 : memref<6400xf32, #tpu.memory_space<hbm>>) target(%arg12 : memref<6400xf32, #tpu.memory_space<vmem>>) target_semaphore(%arg18 : memref<!tpu.dma_semaphore, #tpu.memory_space<semaphore_mem>>)
      } else {
      }
      %ge3A = arith.constant 2 : i32
      %ge3A_48 = arith.cmpi sge, %add3A_35, %ge3A : i32
      %convert_element_type3A_49 = arith.extui %ge3A_48 : i1 to i32
      %cond3A_50 = arith.constant 0 : i32
      %cond3A_51 = arith.cmpi ne, %convert_element_type3A_49, %cond3A_50 : i32
      scf.if %cond3A_51 {
        %dma_wait3A_91 = arith.constant 0 : i32
        %dma_wait3A_92 = tpu.memref_slice %arg6[%dma_wait3A_91] : memref<3276800xf32, #tpu.memory_space<hbm>> -> memref<6400xf32, #tpu.memory_space<hbm>>
        %dma_wait3A_93 = arith.constant 0 : i32
        %dma_wait3A_94 = tpu.memref_slice %arg6[%dma_wait3A_93] : memref<3276800xf32, #tpu.memory_space<hbm>> -> memref<6400xf32, #tpu.memory_space<hbm>>
        tpu.wait_dma2 semaphore(%arg19 : memref<!tpu.dma_semaphore, #tpu.memory_space<semaphore_mem>>) src(%arg13 : memref<6400xf32, #tpu.memory_space<vmem>>) dst(%dma_wait3A_94 : memref<6400xf32, #tpu.memory_space<hbm>>)
      } else {
      }
      %parallel_loop3A = arith.constant 0 : i32
      %parallel_loop3A_52 = arith.constant 6400 : i32
      %parallel_loop3A_53 = arith.constant 16 : i32
      scf.for %parallel_loop3A_91 = %parallel_loop3A to %parallel_loop3A_52 step %parallel_loop3A_53  : i32 {
        %parallel_loop3A_92 = arith.index_cast %parallel_loop3A_91 : i32 to index
        %parallel_loop3A_93 = tpu.vector_load %arg9[%parallel_loop3A_92] {strides = array<i32>} : memref<6400xf32, #tpu.memory_space<vmem>>, vector<16xf32>,
        %parallel_loop3A_94 = arith.index_cast %parallel_loop3A_91 : i32 to index
        %parallel_loop3A_95 = tpu.vector_load %arg11[%parallel_loop3A_94] {strides = array<i32>} : memref<6400xf32, #tpu.memory_space<vmem>>, vector<16xf32>,
        %parallel_loop3A_96 = arith.maximumf %parallel_loop3A_93, %get3A_8 : vector<16xf32>
        %parallel_loop3A_97 = arith.minimumf %parallel_loop3A_96, %get3A_10 : vector<16xf32>
        %parallel_loop3A_98 = arith.subf %parallel_loop3A_97, %get3A_8 : vector<16xf32>
        %parallel_loop3A_99 = arith.mulf %parallel_loop3A_98, %get3A_12 : vector<16xf32>
        %parallel_loop3A_100 = arith.fptosi %parallel_loop3A_99 : vector<16xf32> to vector<16xi32>
        %parallel_loop3A_101 = arith.constant 179 : i32
        %parallel_loop3A_102 = vector.broadcast %parallel_loop3A_101 : i32 to vector<16xi32>
        %parallel_loop3A_103 = arith.minsi %parallel_loop3A_100, %parallel_loop3A_102 : vector<16xi32>
        %parallel_loop3A_104 = arith.sitofp %parallel_loop3A_103 : vector<16xi32> to vector<16xf32>
        %parallel_loop3A_105 = arith.subf %parallel_loop3A_99, %parallel_loop3A_104 : vector<16xf32>
        %parallel_loop3A_106 = arith.subf %parallel_loop3A_95, %get3A_14 : vector<16xf32>
        %parallel_loop3A_107 = arith.constant 0.00277777785 : f32
        %parallel_loop3A_108 = vector.broadcast %parallel_loop3A_107 : f32 to vector<16xf32>
        %parallel_loop3A_109 = arith.mulf %parallel_loop3A_106, %parallel_loop3A_108 : vector<16xf32>
        %parallel_loop3A_110 = arith.constant 4.000000e+00 : f32
        %parallel_loop3A_111 = vector.broadcast %parallel_loop3A_110 : f32 to vector<16xf32>
        %parallel_loop3A_112 = arith.addf %parallel_loop3A_109, %parallel_loop3A_111 : vector<16xf32>
        %parallel_loop3A_113 = arith.fptosi %parallel_loop3A_112 : vector<16xf32> to vector<16xi32>
        %parallel_loop3A_114 = arith.sitofp %parallel_loop3A_113 : vector<16xi32> to vector<16xf32>
        %parallel_loop3A_115 = arith.constant 4.000000e+00 : f32
        %parallel_loop3A_116 = vector.broadcast %parallel_loop3A_115 : f32 to vector<16xf32>
        %parallel_loop3A_117 = arith.subf %parallel_loop3A_114, %parallel_loop3A_116 : vector<16xf32>
        %parallel_loop3A_118 = arith.constant 3.600000e+02 : f32
        %parallel_loop3A_119 = vector.broadcast %parallel_loop3A_118 : f32 to vector<16xf32>
        %parallel_loop3A_120 = arith.mulf %parallel_loop3A_117, %parallel_loop3A_119 : vector<16xf32>
        %parallel_loop3A_121 = arith.subf %parallel_loop3A_95, %parallel_loop3A_120 : vector<16xf32>
        %parallel_loop3A_122 = arith.maximumf %parallel_loop3A_121, %get3A_14 : vector<16xf32>
        %parallel_loop3A_123 = arith.minimumf %parallel_loop3A_122, %get3A_16 : vector<16xf32>
        %parallel_loop3A_124 = arith.subf %parallel_loop3A_123, %get3A_14 : vector<16xf32>
        %parallel_loop3A_125 = arith.mulf %parallel_loop3A_124, %get3A_18 : vector<16xf32>
        %parallel_loop3A_126 = arith.fptosi %parallel_loop3A_125 : vector<16xf32> to vector<16xi32>
        %parallel_loop3A_127 = arith.constant 358 : i32
        %parallel_loop3A_128 = vector.broadcast %parallel_loop3A_127 : i32 to vector<16xi32>
        %parallel_loop3A_129 = arith.minsi %parallel_loop3A_126, %parallel_loop3A_128 : vector<16xi32>
        %parallel_loop3A_130 = arith.sitofp %parallel_loop3A_129 : vector<16xi32> to vector<16xf32>
        %parallel_loop3A_131 = arith.subf %parallel_loop3A_125, %parallel_loop3A_130 : vector<16xf32>
        %parallel_loop3A_132 = arith.constant 360 : i32
        %parallel_loop3A_133 = vector.broadcast %parallel_loop3A_132 : i32 to vector<16xi32>
        %parallel_loop3A_134 = arith.muli %parallel_loop3A_103, %parallel_loop3A_133 : vector<16xi32>
        %parallel_loop3A_135 = arith.addi %parallel_loop3A_134, %parallel_loop3A_129 : vector<16xi32>
        %parallel_loop3A_136 = tpu.vector_load_idx %arg7[%parallel_loop3A_135] : memref<65160xf32, #tpu.memory_space<vmem>>[vector<16xi32>], vector<16xf32>,
        %parallel_loop3A_137 = arith.constant 1 : i32
        %parallel_loop3A_138 = vector.broadcast %parallel_loop3A_137 : i32 to vector<16xi32>
        %parallel_loop3A_139 = arith.addi %parallel_loop3A_135, %parallel_loop3A_138 : vector<16xi32>
        %parallel_loop3A_140 = tpu.vector_load_idx %arg7[%parallel_loop3A_139] : memref<65160xf32, #tpu.memory_space<vmem>>[vector<16xi32>], vector<16xf32>,
        %parallel_loop3A_141 = arith.constant 360 : i32
        %parallel_loop3A_142 = vector.broadcast %parallel_loop3A_141 : i32 to vector<16xi32>
        %parallel_loop3A_143 = arith.addi %parallel_loop3A_135, %parallel_loop3A_142 : vector<16xi32>
        %parallel_loop3A_144 = tpu.vector_load_idx %arg7[%parallel_loop3A_143] : memref<65160xf32, #tpu.memory_space<vmem>>[vector<16xi32>], vector<16xf32>,
        %parallel_loop3A_145 = arith.constant 361 : i32
        %parallel_loop3A_146 = vector.broadcast %parallel_loop3A_145 : i32 to vector<16xi32>
        %parallel_loop3A_147 = arith.addi %parallel_loop3A_135, %parallel_loop3A_146 : vector<16xi32>
        %parallel_loop3A_148 = tpu.vector_load_idx %arg7[%parallel_loop3A_147] : memref<65160xf32, #tpu.memory_space<vmem>>[vector<16xi32>], vector<16xf32>,
        %parallel_loop3A_149 = arith.subf %parallel_loop3A_140, %parallel_loop3A_136 : vector<16xf32>
        %parallel_loop3A_150 = arith.mulf %parallel_loop3A_131, %parallel_loop3A_149 : vector<16xf32>
        %parallel_loop3A_151 = arith.addf %parallel_loop3A_136, %parallel_loop3A_150 : vector<16xf32>
        %parallel_loop3A_152 = arith.subf %parallel_loop3A_148, %parallel_loop3A_144 : vector<16xf32>
        %parallel_loop3A_153 = arith.mulf %parallel_loop3A_131, %parallel_loop3A_152 : vector<16xf32>
        %parallel_loop3A_154 = arith.addf %parallel_loop3A_144, %parallel_loop3A_153 : vector<16xf32>
        %parallel_loop3A_155 = arith.subf %parallel_loop3A_154, %parallel_loop3A_151 : vector<16xf32>
        %parallel_loop3A_156 = arith.mulf %parallel_loop3A_105, %parallel_loop3A_155 : vector<16xf32>
        %parallel_loop3A_157 = arith.addf %parallel_loop3A_151, %parallel_loop3A_156 : vector<16xf32>
        %parallel_loop3A_158 = arith.index_cast %parallel_loop3A_91 : i32 to index
        %parallel_loop3A_159 = tpu.vector_load %arg13[%parallel_loop3A_158] {strides = array<i32>} : memref<6400xf32, #tpu.memory_space<vmem>>, vector<16xf32>,
        tpu.vector_store %arg13[%parallel_loop3A_158], %parallel_loop3A_157 {strides = array<i32>} : memref<6400xf32, #tpu.memory_space<vmem>>, vector<16xf32>,
      } {sc.loop_unroll_factor = 8 : i64, sc.parallel_access}
      %mul3A_54 = arith.constant 6400 : i32
      %mul3A_55 = arith.muli %add3A_35, %mul3A_54 : i32
      %add3A_56 = arith.addi %mul3A_2, %mul3A_55 : i32
      %dma_start3A_57 = tpu.memref_slice %arg6[%add3A_56] : memref<3276800xf32, #tpu.memory_space<hbm>> -> memref<6400xf32, #tpu.memory_space<hbm>>
      %dma_start3A_58 = tpu.memref_slice %arg6[%add3A_56] : memref<3276800xf32, #tpu.memory_space<hbm>> -> memref<6400xf32, #tpu.memory_space<hbm>>
      tpu.enqueue_dma source(%arg13 : memref<6400xf32, #tpu.memory_space<vmem>>) target(%dma_start3A_58 : memref<6400xf32, #tpu.memory_space<hbm>>) target_semaphore(%arg19 : memref<!tpu.dma_semaphore, #tpu.memory_space<semaphore_mem>>)
      %mul3A_59 = arith.constant 2 : i32
      %mul3A_60 = arith.muli %mul3A_59, %scan3A_31 : i32
      %add3A_61 = arith.constant 1 : i32
      %add3A_62 = arith.addi %mul3A_60, %add3A_61 : i32
      %dma_wait3A_63 = arith.constant 0 : i32
      %dma_wait3A_64 = tpu.memref_slice %arg2[%dma_wait3A_63] : memref<3276800xf32, #tpu.memory_space<hbm>> -> memref<6400xf32, #tpu.memory_space<hbm>>
      %dma_wait3A_65 = arith.constant 0 : i32
      %dma_wait3A_66 = tpu.memref_slice %arg2[%dma_wait3A_65] : memref<3276800xf32, #tpu.memory_space<hbm>> -> memref<6400xf32, #tpu.memory_space<hbm>>
      tpu.wait_dma2 semaphore(%arg16 : memref<!tpu.dma_semaphore, #tpu.memory_space<semaphore_mem>>) src(%dma_wait3A_66 : memref<6400xf32, #tpu.memory_space<hbm>>) dst(%arg10 : memref<6400xf32, #tpu.memory_space<vmem>>)
      %dma_wait3A_67 = arith.constant 0 : i32
      %dma_wait3A_68 = tpu.memref_slice %arg3[%dma_wait3A_67] : memref<3276800xf32, #tpu.memory_space<hbm>> -> memref<6400xf32, #tpu.memory_space<hbm>>
      %dma_wait3A_69 = arith.constant 0 : i32
      %dma_wait3A_70 = tpu.memref_slice %arg3[%dma_wait3A_69] : memref<3276800xf32, #tpu.memory_space<hbm>> -> memref<6400xf32, #tpu.memory_space<hbm>>
      tpu.wait_dma2 semaphore(%arg18 : memref<!tpu.dma_semaphore, #tpu.memory_space<semaphore_mem>>) src(%dma_wait3A_70 : memref<6400xf32, #tpu.memory_space<hbm>>) dst(%arg12 : memref<6400xf32, #tpu.memory_space<vmem>>)
      %add3A_71 = arith.constant 1 : i32
      %add3A_72 = arith.addi %add3A_62, %add3A_71 : i32
      %lt3A_73 = arith.constant 16 : i32
      %lt3A_74 = arith.cmpi slt, %add3A_72, %lt3A_73 : i32
      %convert_element_type3A_75 = arith.extui %lt3A_74 : i1 to i32
      %cond3A_76 = arith.constant 0 : i32
      %cond3A_77 = arith.cmpi ne, %convert_element_type3A_75, %cond3A_76 : i32
      scf.if %cond3A_77 {
        %add3A_91 = arith.constant 1 : i32
        %add3A_92 = arith.addi %add3A_62, %add3A_91 : i32
        %mul3A_93 = arith.constant 6400 : i32
        %mul3A_94 = arith.muli %add3A_92, %mul3A_93 : i32
        %add3A_95 = arith.addi %mul3A_2, %mul3A_94 : i32
        %dma_start3A_96 = tpu.memref_slice %arg2[%add3A_95] : memref<3276800xf32, #tpu.memory_space<hbm>> -> memref<6400xf32, #tpu.memory_space<hbm>>
        %dma_start3A_97 = tpu.memref_slice %arg2[%add3A_95] : memref<3276800xf32, #tpu.memory_space<hbm>> -> memref<6400xf32, #tpu.memory_space<hbm>>
        tpu.enqueue_dma source(%dma_start3A_97 : memref<6400xf32, #tpu.memory_space<hbm>>) target(%arg9 : memref<6400xf32, #tpu.memory_space<vmem>>) target_semaphore(%arg15 : memref<!tpu.dma_semaphore, #tpu.memory_space<semaphore_mem>>)
        %dma_start3A_98 = tpu.memref_slice %arg3[%add3A_95] : memref<3276800xf32, #tpu.memory_space<hbm>> -> memref<6400xf32, #tpu.memory_space<hbm>>
        %dma_start3A_99 = tpu.memref_slice %arg3[%add3A_95] : memref<3276800xf32, #tpu.memory_space<hbm>> -> memref<6400xf32, #tpu.memory_space<hbm>>
        tpu.enqueue_dma source(%dma_start3A_99 : memref<6400xf32, #tpu.memory_space<hbm>>) target(%arg11 : memref<6400xf32, #tpu.memory_space<vmem>>) target_semaphore(%arg17 : memref<!tpu.dma_semaphore, #tpu.memory_space<semaphore_mem>>)
      } else {
      }
      %ge3A_78 = arith.constant 2 : i32
      %ge3A_79 = arith.cmpi sge, %add3A_62, %ge3A_78 : i32
      %convert_element_type3A_80 = arith.extui %ge3A_79 : i1 to i32
      %cond3A_81 = arith.constant 0 : i32
      %cond3A_82 = arith.cmpi ne, %convert_element_type3A_80, %cond3A_81 : i32
      scf.if %cond3A_82 {
        %dma_wait3A_91 = arith.constant 0 : i32
        %dma_wait3A_92 = tpu.memref_slice %arg6[%dma_wait3A_91] : memref<3276800xf32, #tpu.memory_space<hbm>> -> memref<6400xf32, #tpu.memory_space<hbm>>
        %dma_wait3A_93 = arith.constant 0 : i32
        %dma_wait3A_94 = tpu.memref_slice %arg6[%dma_wait3A_93] : memref<3276800xf32, #tpu.memory_space<hbm>> -> memref<6400xf32, #tpu.memory_space<hbm>>
        tpu.wait_dma2 semaphore(%arg20 : memref<!tpu.dma_semaphore, #tpu.memory_space<semaphore_mem>>) src(%arg14 : memref<6400xf32, #tpu.memory_space<vmem>>) dst(%dma_wait3A_94 : memref<6400xf32, #tpu.memory_space<hbm>>)
      } else {
      }
      %parallel_loop3A_83 = arith.constant 0 : i32
      %parallel_loop3A_84 = arith.constant 6400 : i32
      %parallel_loop3A_85 = arith.constant 16 : i32
      scf.for %parallel_loop3A_91 = %parallel_loop3A_83 to %parallel_loop3A_84 step %parallel_loop3A_85  : i32 {
        %parallel_loop3A_92 = arith.index_cast %parallel_loop3A_91 : i32 to index
        %parallel_loop3A_93 = tpu.vector_load %arg10[%parallel_loop3A_92] {strides = array<i32>} : memref<6400xf32, #tpu.memory_space<vmem>>, vector<16xf32>,
        %parallel_loop3A_94 = arith.index_cast %parallel_loop3A_91 : i32 to index
        %parallel_loop3A_95 = tpu.vector_load %arg12[%parallel_loop3A_94] {strides = array<i32>} : memref<6400xf32, #tpu.memory_space<vmem>>, vector<16xf32>,
        %parallel_loop3A_96 = arith.maximumf %parallel_loop3A_93, %get3A_8 : vector<16xf32>
        %parallel_loop3A_97 = arith.minimumf %parallel_loop3A_96, %get3A_10 : vector<16xf32>
        %parallel_loop3A_98 = arith.subf %parallel_loop3A_97, %get3A_8 : vector<16xf32>
        %parallel_loop3A_99 = arith.mulf %parallel_loop3A_98, %get3A_12 : vector<16xf32>
        %parallel_loop3A_100 = arith.fptosi %parallel_loop3A_99 : vector<16xf32> to vector<16xi32>
        %parallel_loop3A_101 = arith.constant 179 : i32
        %parallel_loop3A_102 = vector.broadcast %parallel_loop3A_101 : i32 to vector<16xi32>
        %parallel_loop3A_103 = arith.minsi %parallel_loop3A_100, %parallel_loop3A_102 : vector<16xi32>
        %parallel_loop3A_104 = arith.sitofp %parallel_loop3A_103 : vector<16xi32> to vector<16xf32>
        %parallel_loop3A_105 = arith.subf %parallel_loop3A_99, %parallel_loop3A_104 : vector<16xf32>
        %parallel_loop3A_106 = arith.subf %parallel_loop3A_95, %get3A_14 : vector<16xf32>
        %parallel_loop3A_107 = arith.constant 0.00277777785 : f32
        %parallel_loop3A_108 = vector.broadcast %parallel_loop3A_107 : f32 to vector<16xf32>
        %parallel_loop3A_109 = arith.mulf %parallel_loop3A_106, %parallel_loop3A_108 : vector<16xf32>
        %parallel_loop3A_110 = arith.constant 4.000000e+00 : f32
        %parallel_loop3A_111 = vector.broadcast %parallel_loop3A_110 : f32 to vector<16xf32>
        %parallel_loop3A_112 = arith.addf %parallel_loop3A_109, %parallel_loop3A_111 : vector<16xf32>
        %parallel_loop3A_113 = arith.fptosi %parallel_loop3A_112 : vector<16xf32> to vector<16xi32>
        %parallel_loop3A_114 = arith.sitofp %parallel_loop3A_113 : vector<16xi32> to vector<16xf32>
        %parallel_loop3A_115 = arith.constant 4.000000e+00 : f32
        %parallel_loop3A_116 = vector.broadcast %parallel_loop3A_115 : f32 to vector<16xf32>
        %parallel_loop3A_117 = arith.subf %parallel_loop3A_114, %parallel_loop3A_116 : vector<16xf32>
        %parallel_loop3A_118 = arith.constant 3.600000e+02 : f32
        %parallel_loop3A_119 = vector.broadcast %parallel_loop3A_118 : f32 to vector<16xf32>
        %parallel_loop3A_120 = arith.mulf %parallel_loop3A_117, %parallel_loop3A_119 : vector<16xf32>
        %parallel_loop3A_121 = arith.subf %parallel_loop3A_95, %parallel_loop3A_120 : vector<16xf32>
        %parallel_loop3A_122 = arith.maximumf %parallel_loop3A_121, %get3A_14 : vector<16xf32>
        %parallel_loop3A_123 = arith.minimumf %parallel_loop3A_122, %get3A_16 : vector<16xf32>
        %parallel_loop3A_124 = arith.subf %parallel_loop3A_123, %get3A_14 : vector<16xf32>
        %parallel_loop3A_125 = arith.mulf %parallel_loop3A_124, %get3A_18 : vector<16xf32>
        %parallel_loop3A_126 = arith.fptosi %parallel_loop3A_125 : vector<16xf32> to vector<16xi32>
        %parallel_loop3A_127 = arith.constant 358 : i32
        %parallel_loop3A_128 = vector.broadcast %parallel_loop3A_127 : i32 to vector<16xi32>
        %parallel_loop3A_129 = arith.minsi %parallel_loop3A_126, %parallel_loop3A_128 : vector<16xi32>
        %parallel_loop3A_130 = arith.sitofp %parallel_loop3A_129 : vector<16xi32> to vector<16xf32>
        %parallel_loop3A_131 = arith.subf %parallel_loop3A_125, %parallel_loop3A_130 : vector<16xf32>
        %parallel_loop3A_132 = arith.constant 360 : i32
        %parallel_loop3A_133 = vector.broadcast %parallel_loop3A_132 : i32 to vector<16xi32>
        %parallel_loop3A_134 = arith.muli %parallel_loop3A_103, %parallel_loop3A_133 : vector<16xi32>
        %parallel_loop3A_135 = arith.addi %parallel_loop3A_134, %parallel_loop3A_129 : vector<16xi32>
        %parallel_loop3A_136 = tpu.vector_load_idx %arg7[%parallel_loop3A_135] : memref<65160xf32, #tpu.memory_space<vmem>>[vector<16xi32>], vector<16xf32>,
        %parallel_loop3A_137 = arith.constant 1 : i32
        %parallel_loop3A_138 = vector.broadcast %parallel_loop3A_137 : i32 to vector<16xi32>
        %parallel_loop3A_139 = arith.addi %parallel_loop3A_135, %parallel_loop3A_138 : vector<16xi32>
        %parallel_loop3A_140 = tpu.vector_load_idx %arg7[%parallel_loop3A_139] : memref<65160xf32, #tpu.memory_space<vmem>>[vector<16xi32>], vector<16xf32>,
        %parallel_loop3A_141 = arith.constant 360 : i32
        %parallel_loop3A_142 = vector.broadcast %parallel_loop3A_141 : i32 to vector<16xi32>
        %parallel_loop3A_143 = arith.addi %parallel_loop3A_135, %parallel_loop3A_142 : vector<16xi32>
        %parallel_loop3A_144 = tpu.vector_load_idx %arg7[%parallel_loop3A_143] : memref<65160xf32, #tpu.memory_space<vmem>>[vector<16xi32>], vector<16xf32>,
        %parallel_loop3A_145 = arith.constant 361 : i32
        %parallel_loop3A_146 = vector.broadcast %parallel_loop3A_145 : i32 to vector<16xi32>
        %parallel_loop3A_147 = arith.addi %parallel_loop3A_135, %parallel_loop3A_146 : vector<16xi32>
        %parallel_loop3A_148 = tpu.vector_load_idx %arg7[%parallel_loop3A_147] : memref<65160xf32, #tpu.memory_space<vmem>>[vector<16xi32>], vector<16xf32>,
        %parallel_loop3A_149 = arith.subf %parallel_loop3A_140, %parallel_loop3A_136 : vector<16xf32>
        %parallel_loop3A_150 = arith.mulf %parallel_loop3A_131, %parallel_loop3A_149 : vector<16xf32>
        %parallel_loop3A_151 = arith.addf %parallel_loop3A_136, %parallel_loop3A_150 : vector<16xf32>
        %parallel_loop3A_152 = arith.subf %parallel_loop3A_148, %parallel_loop3A_144 : vector<16xf32>
        %parallel_loop3A_153 = arith.mulf %parallel_loop3A_131, %parallel_loop3A_152 : vector<16xf32>
        %parallel_loop3A_154 = arith.addf %parallel_loop3A_144, %parallel_loop3A_153 : vector<16xf32>
        %parallel_loop3A_155 = arith.subf %parallel_loop3A_154, %parallel_loop3A_151 : vector<16xf32>
        %parallel_loop3A_156 = arith.mulf %parallel_loop3A_105, %parallel_loop3A_155 : vector<16xf32>
        %parallel_loop3A_157 = arith.addf %parallel_loop3A_151, %parallel_loop3A_156 : vector<16xf32>
        %parallel_loop3A_158 = arith.index_cast %parallel_loop3A_91 : i32 to index
        %parallel_loop3A_159 = tpu.vector_load %arg14[%parallel_loop3A_158] {strides = array<i32>} : memref<6400xf32, #tpu.memory_space<vmem>>, vector<16xf32>,
        tpu.vector_store %arg14[%parallel_loop3A_158], %parallel_loop3A_157 {strides = array<i32>} : memref<6400xf32, #tpu.memory_space<vmem>>, vector<16xf32>,
      } {sc.loop_unroll_factor = 8 : i64, sc.parallel_access}
      %mul3A_86 = arith.constant 6400 : i32
      %mul3A_87 = arith.muli %add3A_62, %mul3A_86 : i32
      %add3A_88 = arith.addi %mul3A_2, %mul3A_87 : i32
      %dma_start3A_89 = tpu.memref_slice %arg6[%add3A_88] : memref<3276800xf32, #tpu.memory_space<hbm>> -> memref<6400xf32, #tpu.memory_space<hbm>>
      %dma_start3A_90 = tpu.memref_slice %arg6[%add3A_88] : memref<3276800xf32, #tpu.memory_space<hbm>> -> memref<6400xf32, #tpu.memory_space<hbm>>
      tpu.enqueue_dma source(%arg14 : memref<6400xf32, #tpu.memory_space<vmem>>) target(%dma_start3A_90 : memref<6400xf32, #tpu.memory_space<hbm>>) target_semaphore(%arg20 : memref<!tpu.dma_semaphore, #tpu.memory_space<semaphore_mem>>)
    }
    %scan3A_23 = arith.constant 8 : i32
    %dma_wait3A = arith.constant 0 : i32
    %dma_wait3A_24 = tpu.memref_slice %arg6[%dma_wait3A] : memref<3276800xf32, #tpu.memory_space<hbm>> -> memref<6400xf32, #tpu.memory_space<hbm>>
    %dma_wait3A_25 = arith.constant 0 : i32
    %dma_wait3A_26 = tpu.memref_slice %arg6[%dma_wait3A_25] : memref<3276800xf32, #tpu.memory_space<hbm>> -> memref<6400xf32, #tpu.memory_space<hbm>>
    tpu.wait_dma2 semaphore(%arg19 : memref<!tpu.dma_semaphore, #tpu.memory_space<semaphore_mem>>) src(%arg13 : memref<6400xf32, #tpu.memory_space<vmem>>) dst(%dma_wait3A_26 : memref<6400xf32, #tpu.memory_space<hbm>>)
    %dma_wait3A_27 = arith.constant 0 : i32
    %dma_wait3A_28 = tpu.memref_slice %arg6[%dma_wait3A_27] : memref<3276800xf32, #tpu.memory_space<hbm>> -> memref<6400xf32, #tpu.memory_space<hbm>>
    %dma_wait3A_29 = arith.constant 0 : i32
    %dma_wait3A_30 = tpu.memref_slice %arg6[%dma_wait3A_29] : memref<3276800xf32, #tpu.memory_space<hbm>> -> memref<6400xf32, #tpu.memory_space<hbm>>
    tpu.wait_dma2 semaphore(%arg20 : memref<!tpu.dma_semaphore, #tpu.memory_space<semaphore_mem>>) src(%arg14 : memref<6400xf32, #tpu.memory_space<vmem>>) dst(%dma_wait3A_30 : memref<6400xf32, #tpu.memory_space<hbm>>)
    return
  }
}

</mosaic_0001>

<sc_bundles>
// kernel: kernel.3.cloned.1.call-start
scs
__scs_entry_jumppad:
0x0: {  	(pc) =	sbr.rel $0x88, $3  }
0x1: {  	(tag) =	ssettag $0x0;
	lr =	simm.s32 $0x1  }
0x2: {  	[smem:$0x3F9C] =	sst lr;
	_ =	strace $0xD0000000  }
0x3: {  	_ = 	snop  }
0x4: {  	_ = 	snop  }
0x5: {  	_ = 	snop  }
0x6: {  	_ = 	snop  }
0x7: {  	_ = 	snop  }
__scs_overlays_trampoline_lowered:
0x8: {  	[smem:$0x3FAB] =	sst s0  }
0x9: {  	[smem:$0x3FAC] =	sst s1  }
0xa: {  	[smem:$0x3FAD] =	sst s2  }
0xb: {  	[smem:$0x3FAE] =	sst s3  }
0xc: {  	[smem:$0x3FAF] =	sst s4  }
0xd: {  	[smem:$0x3FB0] =	sst s5  }
0xe: {  	[smem:$0x3FB1] =	sst s6  }
0xf: {  	[smem:$0x3FB2] =	sst s7  }
0x10: {  	[smem:$0x3FB3] =	sst s8  }
0x11: {  	[smem:$0x3FB4] =	sst s9;
	s0 =	simm.s32 @!p0 $0x0  }
0x12: {  	s1 =	sld [smem:$0x3F9A];
	s0 =	simm.s32 @p0 $0x1  }
0x13: {  	[smem:$0x3FB5] =	sst s0;
	s0 =	simm.s32 @!p1 $0x0  }
0x14: {  	s2 =	sld [smem:$0x3F99];
	s0 =	simm.s32 @p1 $0x1  }
0x15: {  	[smem:$0x3FB6] =	sst s0;
	s0 =	simm.s32 @!p2 $0x0  }
0x16: {  	s3 =	sld [smem:$0x3FDB];
	s0 =	simm.s32 @p2 $0x1  }
0x17: {  	s4 =	simm.s32 $0x1BF5;
	[smem:$0x3FB8] =	sst s0  }
0x18: {  	s0 =	sld [smem:$0x3F9B];
	_ =	swait.ge [sflag:s4], $0x0  }
0x19: {  	s7 =	sld [smem:$0x3F9C]  }
0x1a: {  	s8 =	sadd.s32 $0xFFFFE003, lr  }
0x1b: {  	s9 =	sadd.s32 $0xFFFFFEF7, lr;
	s5 =	simm.s32 $0xFFFFFFFF;
	p2 =	slt.u32 s8, $0xFFFFF086  }
0x1c: {  	p1 =	slt.u32 s9, $0xF7A;
	s5 =	simm.s32 @!p2 $0x0  }
0x1d: {  	s5 =	simm.s32 @p1 $0x1;
	p0 =	seq.s32 s7, s2  }
0x1e: {  	s7 =	smul.u32 @!p0 $0xF7A, s2;
	p2 =	seq.s32 @!p0 s5, $0x0  }
0x1f: {  	s9 =	smul.u32 $0xF7A, s1;
	s8 =	simm.s32 @!p0 $0x1BF5;
	p2 =	por !p2, p0  }
0x20: {  	[sflag:s8] =	ssyncset.s32 @!p0 $0xFFFFF086;
	s6 =	sadd.s32 @!p0 s3, s7;
	s7 =	simm.s32 @!p0 $0x108  }
0x21: {  	s3 =	sadd.s32 s3, s9;
	s6 =	sadd.s32 @!p0 $0x88, s6;
	s7 =	simm.s32 @p2 $0x1082  }
0x22: {  	[simem:s7], [sflag:s8] =	dma.local @!p0 [hbm:s6], $0xF7A  }
0x23: {  	s9 =	sor.u32 $0xD0000000, s2;
	s6 =	simm.s32 $0x108;
	_ =	swait.ge @!p0 [sflag:s8], $0x0  }
0x24: {  	s3 =	sadd.s32 $0x88, s3;
	s6 =	simm.s32 @!p1 $0x1082;
	[sflag:s4] =	ssyncset.s32 $0xFFFFF086  }
0x25: {  	[simem:s6], [sflag:s4] =	dma.local [hbm:s3], $0xF7A  }
0x26: {  	[smem:$0x3F9C] =	sst s1;
	(tag) =	ssettag s2;
	_ =	strace s9  }
0x27: {  	s1 =	sld [smem:$0x3FAC]  }
0x28: {  	s2 =	sld [smem:$0x3FAD]  }
0x29: {  	s4 =	sld [smem:$0x3FAF]  }
0x2a: {  	p0 =	seq.s32 s5, $0x0;
	s5 =	sld [smem:$0x3FB0]  }
0x2b: {  	s6 =	sld [smem:$0x3FB1]  }
0x2c: {  	s7 =	sld [smem:$0x3FB2]  }
0x2d: {  	s3 =	simm.s32 $0x108;
	s8 =	sld [smem:$0x3FB3]  }
0x2e: {  	s3 =	simm.s32 @!p0 $0x1082;
	s9 =	sld [smem:$0x3FB4]  }
0x2f: {  	lr =	sadd.s32 s0, s3;
	s0 =	sld [smem:$0x3FAB]  }
0x30: {  	s3 =	sld [smem:$0x3FAE]  }
0x31: {  	[smem:$0x3FB7] =	sst s10  }
0x32: {  	s10 =	sld [smem:$0x3FB5];
	_ =	sdelay $0x3  }
0x33: {  	p0 =	seq.s32 s10, $0x1;
	s10 =	sld [smem:$0x3FB7];
	_ =	sdelay $0x3  }
0x34: {  	[smem:$0x3FB7] =	sst s10  }
0x35: {  	s10 =	sld [smem:$0x3FB6];
	_ =	sdelay $0x3  }
0x36: {  	p1 =	seq.s32 s10, $0x1;
	s10 =	sld [smem:$0x3FB7];
	_ =	sdelay $0x3  }
0x37: {  	[smem:$0x3FB7] =	sst s10  }
0x38: {  	s10 =	sld [smem:$0x3FB8]  }
0x39: {  	_ = 	snop;
	(pc) =	sbr.ind lr, $3  }
0x3a: {  	_ = 	snop  }
0x3b: {  	_ = 	snop  }
0x3c: {  	p2 =	seq.s32 s10, $0x1;
	s10 =	sld [smem:$0x3FB7]  }
0x3d: {  	_ =	shalt  }
0x3e: {  	_ =	shalt  }
0x3f: {  	_ =	shalt  }
0x40: {  	_ =	shalt  }
0x41: {  	_ =	shalt  }
0x42: {  	_ =	shalt  }
0x43: {  	_ =	shalt  }
0x44: {  	_ =	shalt  }
0x45: {  	_ =	shalt  }
0x46: {  	_ =	shalt  }
0x47: {  	_ =	shalt  }
0x48: {  	_ =	shalt  }
0x49: {  	_ =	shalt  }
0x4a: {  	_ =	shalt  }
0x4b: {  	_ =	shalt  }
0x4c: {  	_ =	shalt  }
0x4d: {  	_ =	shalt  }
0x4e: {  	_ =	shalt  }
0x4f: {  	_ =	shalt  }
0x50: {  	_ =	shalt  }
0x51: {  	_ =	shalt  }
0x52: {  	_ =	shalt  }
0x53: {  	_ =	shalt  }
0x54: {  	_ =	shalt  }
0x55: {  	_ =	shalt  }
0x56: {  	_ =	shalt  }
0x57: {  	_ =	shalt  }
0x58: {  	_ =	shalt  }
0x59: {  	_ =	shalt  }
0x5a: {  	_ =	shalt  }
0x5b: {  	_ =	shalt  }
0x5c: {  	_ =	shalt  }
0x5d: {  	_ =	shalt  }
0x5e: {  	_ =	shalt  }
0x5f: {  	_ =	shalt  }
0x60: {  	_ =	shalt  }
0x61: {  	_ =	shalt  }
0x62: {  	_ =	shalt  }
0x63: {  	_ =	shalt  }
0x64: {  	_ =	shalt  }
0x65: {  	_ =	shalt  }
0x66: {  	_ =	shalt  }
0x67: {  	_ =	shalt  }
0x68: {  	_ =	shalt  }
0x69: {  	_ =	shalt  }
0x6a: {  	_ =	shalt  }
0x6b: {  	_ =	shalt  }
0x6c: {  	_ =	shalt  }
0x6d: {  	_ =	shalt  }
0x6e: {  	_ =	shalt  }
0x6f: {  	_ =	shalt  }
0x70: {  	_ =	shalt  }
0x71: {  	_ =	shalt  }
0x72: {  	_ =	shalt  }
0x73: {  	_ =	shalt  }
0x74: {  	_ =	shalt  }
0x75: {  	_ =	shalt  }
0x76: {  	_ =	shalt  }
0x77: {  	_ =	shalt  }
0x78: {  	_ =	shalt  }
0x79: {  	_ =	shalt  }
0x7a: {  	_ =	shalt  }
0x7b: {  	_ =	shalt  }
0x7c: {  	_ =	shalt  }
0x7d: {  	_ =	shalt  }
0x7e: {  	_ =	shalt  }
0x7f: {  	_ =	shalt  }
0x80: {  	_ =	shalt  }
0x81: {  	_ =	shalt  }
0x82: {  	_ =	shalt  }
0x83: {  	_ =	shalt  }
0x84: {  	_ =	shalt  }
0x85: {  	_ =	shalt  }
0x86: {  	_ =	shalt  }
0x87: {  	_ =	shalt  }
.Lfunc_end0:
.L_simem_size_0:
called_computation_lowered:
.L_overlay_start_0:
0x88: {  	s2 =	sld [smem:$0x3FD9]  }
0x89: {  	s3 =	sld [smem:$0x3FFE];
	_ =	sdelay $0x1  }
0x8a: {  	s1 =	srdreg.scid  }
0x8b: {  	s0 =	sand.u32 $0x1, s1  }
0x8c: {  	s17 =	sshll.u32 s0, $0xA;
	s2 =	sadd.s32 s3, s2  }
0x8d: {  	s2 =	sadd.s32 s2, s17  }
0x8e: {  	[smem:$0x3FC3] =	sst s2  }
0x8f: {  	_ = 	snop  }
0x90: {  	s2 =	sld [smem:$0x3FD0];
	(tm) =	ssettm $0x1  }
0x91: {  	s18 =	sld [smem:$0x3FFB];
	_ =	sdelay $0x3  }
0x92: {  	_ =	strace s18  }
0x93: {  	s3 =	sld [smem:$0x3FFC];
	_ =	sdelay $0x3  }
0x94: {  	_ =	strace s3  }
0x95: {  	s3 =	sld [smem:$0x3FFD];
	_ =	sdelay $0x3  }
0x96: {  	_ =	strace s3  }
0x97: {  	_ =	strace $0x8FFFFFFF  }
0x98: {  	s19 =	sld [smem:$0x3FDB];
	_ =	sdelay $0x1  }
0x99: {  	s4 =	simm.s32 $_scs_section_size  }
0x9a: {  	s5 =	simm.s32 $_size__tile_overlayer_lowered;
	s6 =	simm.s32 $_tile_overlayer_lowered  }
0x9b: {  	s22 =	simm.s32 $0x1BFF;
	s21 =	sshll.u32 s6, $0x1;
	s3 =	sadd.s32 s4, s19  }
0x9c: {  	s7 =	simm.s32 $0x0;
	s20 =	sshll.u32 s5, $0x1;
	s5 =	sadd.s32 s21, s3  }
0x9d: {  	[timem:s7], [sflag:s22] =	dma.local [hbm:s5], s20  }
0x9e: {  	_ =	swait.ge [sflag:s22], s20  }
0x9f: {  	s4 =	ssub.s32 $0x0, s20;
	[sflag:s22] =	ssyncset.done $0x0  }
0xa0: {  	[sflag:s22] =	ssyncadd.s32 s4;
	_ =	sdelay $0x1  }
0xa1: {  	s23 =	simm.s32 $0x1B8B  }
0xa2: {  	_ =	swait.ge [sflag:s23], $0x1  }
0xa3: {  	[sflag:s23] =	ssyncset.done $0x0  }
0xa4: {  	s25 =	simm.s32 $0x1B8E;
	s24 =	sld [smem:$0x3FFE];
	[sflag:s23] =	ssyncadd.s32 $0xFFFFFFFF  }
0xa5: {  	s26 =	simm.s32 $execute0_lowered;
	[smem:$0x3FD2] =	sst s25  }
0xa6: {  	s5 =	sshll.u32 s26, $0x1;
	_ =	strace $0x80000046;
	[dreg:$0x1] =	wrdreg $0xFFFFFFFF  }
0xa7: {  	s28 =	simm.s32 $_size_execute0_lowered;
	s3 =	sadd.s32 s3, s5;
	[dreg:$0x0] =	wrdreg $0x0  }
0xa8: {  	s5 =	sshll.u32 s28, $0x1;
	[dreg:$0x2] =	wrdreg s3  }
0xa9: {  	[dreg:$0x3] =	wrdreg s5  }
0xaa: {  	[dreg:$0x4] =	wrdreg $0xC0  }
0xab: {  	_ =	task [dreg:s7], $0x5FFFF  }
0xac: {  	[dreg:$0x1] =	wrdreg $0xFFFFFFFF  }
0xad: {  	[dreg:$0x0] =	wrdreg $0x60  }
0xae: {  	[dreg:$0x2] =	wrdreg s2  }
0xaf: {  	[dreg:$0x3] =	wrdreg s24  }
0xb0: {  	[dreg:$0x4] =	wrdreg $0x9  }
0xb1: {  	_ =	task.clear_ibuf [dreg:s7], $0x5FFFF;
	_ =	strace $0x90000046  }
0xb2: {  	s29 =	simm.s32 $0x9;
	_ =	strace $0x80000048  }
0xb3: {  	_ =	swait.ge [sflag:s29], $0x1  }
0xb4: {  	[sflag:s29] =	ssyncadd.s32 $0xFFFFFFFF  }
0xb5: {  	_ =	strace $0x90000048  }
0xb6: {  	_ =	sfence  }
0xb7: {  	s30 =	sld [smem:$0x0];
	_ =	sdelay $0x2  }
0xb8: {  	s31 =	sshll.u32 s1, $0xD;
	s1 =	sshrl.u32 s1, $0x2  }
0xb9: {  	s3 =	sand.u32 $0x4000, s31;
	s1 =	sadd.s32 s1, s30  }
0xba: {  	s0 =	sor.u32 s3, s0;
	s1 =	sshll.u32 s1, $0x11  }
0xbb: {  	s0 =	sor.u32 s1, s0  }
0xbc: {  	s0 =	sadd.s32 $0x8F2B, s0  }
0xbd: {  	[sflag:s0] =	ssyncadd.remote.s32 $0x1  }
0xbe: {  	_ =	sfence.sel $0xFFFF  }
0xbf: {  	[dreg:$0x0] =	wrdreg $0xFFFFFFFF;
	(pc) =	sbr.abs _section_cstart, $3  }
0xc0: {  	[dreg:$0x1] =	wrdreg $0xFFFFFFFF  }
0xc1: {  	_ =	task.clear_ibuf [dreg:s7], $0x2FFFF;
	_ =	strace $0x9FFFFFFF  }
0xc2: {  	(tm) =	ssettm $0x7FFFFFFF  }
0xc3: {  	_ =	shalt  }
tec
execute0_lowered:
.L_overlay_start_1:
0x0: {  	(tag) =	ssettag $0x1  }
0x1: {  	s2 =	rddreg [dreg:$0x0]  }
0x2: {  	s0 =	rddreg [dreg:$0x1]  }
0x3: {  	s1 =	srdreg.scid;
	s4 =	stileid.u32;
	s3 =	simm.s32 $0x0  }
0x4: {  	s16 =	simm.s32 $0x7;
	s18 =	simm.s32 $0x1;
	s19 =	simm.s32 $0x3  }
0x5: {  	s20 =	simm.s32 $0x11880;
	s21 =	simm.s32 $0x14A80;
	s22 =	simm.s32 $0x16380  }
0x6: {  	s23 =	simm.s32 $0x2;
	s24 =	simm.s32 $0x4;
	s25 =	simm.s32 $0x17C80  }
0x7: {  	s28 =	simm.s32 $0x6;
	s29 =	simm.s32 $0x0;
	s1 =	sand.u32 $0x1, s1  }
0x8: {  	s4 =	sshll.u32 s4, $0x1;
	[smem:$0x7FF] =	sst s3;
	s6 =	sadd.s32 $0x65E00, s0  }
0x9: {  	s26 =	sadd.s32 $0x67E00, s0;
	s8 =	sadd.s32 $0x68000, s0;
	s5 =	sor.u32 s1, s4  }
0xa: {  	_ =	strace $0x80000047;
	s4 =	sadd.s32 $0x1E00, s0;
	s1 =	ssub.s32 $0x2, s1  }
0xb: {  	[dreg:$0x3] =	wrdreg s6;
	s5 =	smul.u32 $0x19000, s5;
	s30 =	sshrl.u32 s1, $0x1  }
0xc: {  	[dreg:$0x4] =	wrdreg s26;
	s26 =	simm.s32 $0x5;
	s0 =	ssub.s32 s1, s30  }
0xd: {  	s31 =	sshrl.u32 s5, $0x3;
	s11 =	sadd.s32 $0x1900, s5;
	s12 =	sadd.s32 $0x3200, s5  }
0xe: {  	s13 =	smax.u32 s0, $0x1;
	s9 =	sadd.s32 s2, s31;
	s10 =	sadd.s32 s4, s31  }
.LBB2_1:
0xf: {  	s0 =	simm.s32 $0xFF80  }
0x10: {  	[tilespmem:s0], [sflag:$0x1] =	stream.linear.gather [hbm4b:s9+s3], $0x1900, $0x38;
	[tilespmem:$0x19580] =	vst v63  }
0x11: {  	s15 =	simm.s32 $0x13180  }
0x12: {  	[tilespmem:s15], [sflag:$0x3] =	stream.linear.gather [hbm4b:s10+s3], $0x1900, $0x38;
	[tilespmem:$0x19580] =	vst v63  }
0x13: {  	s17 =	rddreg [dreg:$0x3]  }
0x14: {  	[tilespmem:s3], [sflag:$0x7] =	stream.linear.gather [hbm4b:s17+s3], $0xFF00, $0x38;
	[tilespmem:$0x19580] =	vst v63  }
0x15: {  	_ =	swait.ge [sflag:s16], $0xFF00  }
0x16: {  	[sflag:s16] =	ssyncset.done $0x0  }
0x17: {  	s1 =	simm.s32 $0xFF00;
	s31 =	rddreg [dreg:$0x4];
	[sflag:s16] =	ssyncadd.s32 $0xFFFF0100  }
0x18: {  	[tilespmem:s1], [sflag:$0x7] =	stream.linear.gather [hbm4b:s31+s3], $0x80, $0x38;
	[tilespmem:$0x19580] =	vst v63  }
0x19: {  	_ =	swait.ge [sflag:s16], $0x80  }
0x1a: {  	[sflag:s16] =	ssyncset.done $0x0  }
0x1b: {  	[sflag:s16] =	ssyncadd.s32 $0xFFFFFF80  }
0x1c: {  	v63 =	vld [tilespmem:$0xFF00]  }
0x1d: {  	v0 =	vld [tilespmem:$0xFF10]  }
0x1e: {  	v1 =	vld [tilespmem:$0xFF40]  }
0x1f: {  	v4 =	vld [tilespmem:$0xFF20]  }
0x20: {  	v5 =	vld [tilespmem:$0xFF50]  }
0x21: {  	[tilespmem:$0x1FFB0] =	vst v63  }
0x22: {  	[tilespmem:$0x1FFC0] =	vst v0  }
0x23: {  	[tilespmem:$0x1FFD0] =	vst v1  }
0x24: {  	[tilespmem:$0x1FFE0] =	vst v4  }
0x25: {  	s30 =	simm.s32 $0x0;
	v3 =	vld [tilespmem:$0xFF30];
	[tilespmem:$0x1FFF0] =	vst v5  }
.LBB2_2:
0x26: {  	_ =	swait.ge [sflag:s18], $0x1900  }
0x27: {  	s0 =	smul.u32 $0x3200, s30;
	[sflag:s18] =	ssyncset.done $0x0  }
0x28: {  	[sflag:s18] =	ssyncadd.s32 $0xFFFFE700  }
0x29: {  	s1 =	sadd.s32 s0, s11;
	_ =	swait.ge [sflag:s19], $0x1900  }
0x2a: {  	s31 =	sshrl.u32 s1, $0x3;
	[sflag:s19] =	ssyncset.done $0x0  }
0x2b: {  	p0 =	seq.s32 s30, $0x0;
	s1 =	sadd.s32 s2, s31;
	[sflag:s19] =	ssyncadd.s32 $0xFFFFE700  }
0x2c: {  	[tilespmem:s20], [sflag:$0x2] =	stream.linear.gather [hbm4b:s1+s3], $0x1900, $0x38;
	[tilespmem:$0x19580] =	vst v63  }
0x2d: {  	s7 =	sadd.s32 s4, s31;
	s1 =	simm.s32 @!p0 $0x5  }
0x2e: {  	[tilespmem:s21], [sflag:$0x4] =	stream.linear.gather [hbm4b:s7+s3], $0x1900, $0x38;
	[tilespmem:$0x19580] =	vst v63  }
0x2f: {  	_ =	swait.ge @!p0 [sflag:s1], $0x1900  }
0x30: {  	[sflag:s1] =	ssyncset.done @!p0 $0x0  }
0x31: {  	s14 =	simm.s32 $0x131C0;
	[sflag:s1] =	ssyncadd.s32 @!p0 $0xFFFFE700  }
0x32: {  	v6 =	vld [tilespmem:s14+$0xFFFFFFC0]  }
0x33: {  	v7 =	vld [tilespmem:s14+$0xFFFFFFD0]  }
0x34: {  	v8 =	vld [tilespmem:s14+$0xFFFFFFE0]  }
0x35: {  	v9 =	vld [tilespmem:s14+$0xFFFFFFF0]  }
0x36: {  	v10 =	vld [tilespmem:s14+$0x0]  }
0x37: {  	v12 =	vld [tilespmem:s14+$0x10]  }
0x38: {  	v14 =	vld [tilespmem:s14+$0x20]  }
0x39: {  	v16 =	vld [tilespmem:s14+$0x30]  }
0x3a: {  	v11 =	vsub.f32 v6, v3;
	v13 =	vsub.f32 v7, v3  }
0x3b: {  	v15 =	vsub.f32 v8, v3;
	v17 =	vsub.f32 v9, v3  }
0x3c: {  	v18 =	vsub.f32 v10, v3;
	v19 =	vsub.f32 v12, v3;
	v11 =	vmul.f32 $2.777777850e-03, v11  }
0x3d: {  	v20 =	vsub.f32 v14, v3;
	v13 =	vmul.f32 $2.777777850e-03, v13;
	v15 =	vmul.f32 $2.777777850e-03, v15  }
0x3e: {  	v21 =	vsub.f32 v16, v3;
	v17 =	vmul.f32 $2.777777850e-03, v17;
	v18 =	vmul.f32 $2.777777850e-03, v18  }
0x3f: {  	s15 =	simm.s32 $0xFFC0;
	v19 =	vmul.f32 $2.777777850e-03, v19;
	v20 =	vmul.f32 $2.777777850e-03, v20;
	v11 =	vadd.f32 $4.000000000e+00, v11  }
0x40: {  	v22 =	vld [tilespmem:s15+$0xFFFFFFC0];
	v21 =	vmul.f32 $2.777777850e-03, v21;
	v13 =	vadd.f32 $4.000000000e+00, v13;
	v15 =	vadd.f32 $4.000000000e+00, v15  }
0x41: {  	v17 =	vadd.f32 $4.000000000e+00, v17;
	v18 =	vadd.f32 $4.000000000e+00, v18;
	v11 =	vtrunc.f32 v11  }
0x42: {  	v19 =	vadd.f32 $4.000000000e+00, v19;
	v13 =	vtrunc.f32 v13;
	v15 =	vtrunc.f32 v15  }
0x43: {  	v20 =	vadd.f32 $4.000000000e+00, v20;
	v17 =	vtrunc.f32 v17;
	v11 =	vcvt.f32.s32 v11  }
0x44: {  	v21 =	vadd.f32 $4.000000000e+00, v21;
	v18 =	vtrunc.f32 v18;
	v19 =	vtrunc.f32 v19  }
0x45: {  	v22 =	vmax.f32 v22, v63;
	v20 =	vtrunc.f32 v20;
	v11 =	vcvt.s32.f32 v11  }
0x46: {  	v58 =	vtrunc.f32 v21;
	v13 =	vadd.f32 $-4.000000000e+00, v13;
	v15 =	vadd.f32 $-4.000000000e+00, v15  }
0x47: {  	v21 =	vmin.f32 v22, v0;
	v17 =	vadd.f32 $-4.000000000e+00, v17;
	v11 =	vadd.f32 $-4.000000000e+00, v11  }
0x48: {  	v18 =	vadd.f32 $-4.000000000e+00, v18;
	v21 =	vsub.f32 v21, v63;
	v13 =	vmul.f32 $3.600000000e+02, v13  }
0x49: {  	v24 =	vld [tilespmem:s15+$0xFFFFFFF0];
	v19 =	vadd.f32 $-4.000000000e+00, v19;
	v15 =	vmul.f32 $3.600000000e+02, v15;
	v11 =	vmul.f32 $3.600000000e+02, v11  }
0x4a: {  	v26 =	vld [tilespmem:s15+$0x20];
	v20 =	vadd.f32 $-4.000000000e+00, v20;
	v21 =	vmul.f32 v21, v4;
	v17 =	vmul.f32 $3.600000000e+02, v17  }
0x4b: {  	v18 =	vmul.f32 $3.600000000e+02, v18;
	v19 =	vmul.f32 $3.600000000e+02, v19;
	v6 =	vsub.f32 v6, v11  }
0x4c: {  	v7 =	vsub.f32 v7, v13;
	v13 =	vtrunc.f32 v21;
	v8 =	vsub.f32 v8, v15  }
0x4d: {  	v9 =	vsub.f32 v9, v17;
	v17 =	vmul.f32 $3.600000000e+02, v20;
	v6 =	vmax.f32 v6, v3  }
0x4e: {  	v10 =	vsub.f32 v10, v18;
	v12 =	vsub.f32 v12, v19;
	v6 =	vmin.f32 v6, v1  }
0x4f: {  	v19 =	vmax.f32 v24, v63;
	v24 =	vmax.f32 v26, v63;
	v6 =	vsub.f32 v6, v3  }
0x50: {  	v13 =	vcvt.f32.s32 v13;
	v19 =	vmin.f32 v19, v0;
	v24 =	vmin.f32 v24, v0  }
0x51: {  	v7 =	vmax.f32 v7, v3;
	v8 =	vmax.f32 v8, v3;
	v6 =	vmul.f32 v6, v5  }
0x52: {  	v9 =	vmax.f32 v9, v3;
	v10 =	vmax.f32 v10, v3;
	v12 =	vmax.f32 v12, v3  }
0x53: {  	v23 =	vld [tilespmem:s15+$0xFFFFFFE0];
	v19 =	vsub.f32 v19, v63;
	v24 =	vsub.f32 v24, v63;
	v20 =	vtrunc.f32 v6  }
0x54: {  	v25 =	vld [tilespmem:s15+$0x0];
	vm0 =	vlt.s32 v13, $0xB3;
	v7 =	vmin.f32 v7, v1;
	v18 =	vcvt.f32.s32 v20  }
0x55: {  	v22 =	vld [tilespmem:s15+$0xFFFFFFD0];
	v8 =	vmin.f32 v8, v1;
	v11 =	vadd.f32 $-4.000000000e+00, v58;
	v27 =	vnsel vm0, $0xB3, v13  }
0x56: {  	v13 =	vsub.f32 v14, v17;
	v14 =	vmul.u32 $0x168, v27;
	vm14 =	vlt.s32 v18, $0x166  }
0x57: {  	v15 =	vld [tilespmem:s15+$0x10];
	v9 =	vmin.f32 v9, v1;
	v11 =	vmul.f32 $3.600000000e+02, v11;
	v17 =	vnsel vm14, $0x166, v18  }
0x58: {  	v10 =	vmin.f32 v10, v1;
	v7 =	vsub.f32 v7, v3;
	v14 =	vadd.s32 v14, v17  }
0x59: {  	v11 =	vsub.f32 v16, v11;
	v18 =	vmax.f32 v23, v63;
	v23 =	vadd.s32 $0x1, v14  }
0x5a: {  	v16 =	vmax.f32 v22, v63;
	v22 =	vmax.f32 v25, v63;
	v20 =	vld [tilespmem:s15+$0x30];
	v25 =	vadd.s32 $0x168, v14  }
0x5b: {  	v8 =	vsub.f32 v8, v3;
	v9 =	vsub.f32 v9, v3;
	v26 =	vadd.s32 $0x169, v14  }
0x5c: {  	v19 =	vmul.f32 v19, v4;
	v10 =	vsub.f32 v10, v3;
	v15 =	vmax.f32 v15, v63  }
0x5d: {  	v13 =	vmax.f32 v13, v3;
	v8 =	vmul.f32 v8, v5;
	v16 =	vmin.f32 v16, v0;
	v14 =	vld.idx.msk [tilespmem:v14+s3+$0x0], $0xffff  }
0x5e: {  	v9 =	vmul.f32 v9, v5;
	v16 =	vsub.f32 v16, v63;
	v17 =	vcvt.s32.f32 v17;
	v23 =	vld.idx.msk [tilespmem:v23+s3+$0x0], $0xffff  }
0x5f: {  	v28 =	vmax.f32 v11, v3;
	v18 =	vmin.f32 v18, v0;
	v20 =	vmax.f32 v20, v63;
	v25 =	vld.idx.msk [tilespmem:v25+s3+$0x0], $0xffff  }
0x60: {  	v18 =	vsub.f32 v18, v63;
	v20 =	vmin.f32 v20, v0;
	v6 =	vsub.f32 v6, v17;
	v59 =	vld.idx.msk [tilespmem:v26+s3+$0x0], $0xffff  }
0x61: {  	v17 =	vmul.f32 v16, v4;
	v16 =	vmin.f32 v28, v1;
	v20 =	vsub.f32 v20, v63  }
0x62: {  	v30 =	vtrunc.f32 v9;
	v11 =	vmul.f32 v18, v4;
	v16 =	vsub.f32 v16, v3  }
0x63: {  	v29 =	vmin.f32 v13, v1;
	v30 =	vcvt.f32.s32 v30;
	v18 =	vmul.f32 v20, v4  }
0x64: {  	v22 =	vmin.f32 v22, v0;
	v16 =	vmul.f32 v16, v5;
	v60 =	vtrunc.f32 v11  }
0x65: {  	v26 =	vmin.f32 v12, v1;
	v12 =	vsub.f32 v23, v14;
	v13 =	vsub.f32 v59, v25  }
0x66: {  	v22 =	vsub.f32 v22, v63;
	v28 =	vtrunc.f32 v18;
	v34 =	vtrunc.f32 v16  }
0x67: {  	v15 =	vmin.f32 v15, v0;
	v12 =	vmul.f32 v6, v12;
	v6 =	vmul.f32 v6, v13  }
0x68: {  	v15 =	vsub.f32 v15, v63;
	v13 =	vmul.f32 v22, v4;
	v22 =	vcvt.s32.f32 v27  }
0x69: {  	v62 =	vcvt.f32.s32 v34;
	v14 =	vadd.f32 v12, v14;
	v23 =	vadd.f32 v6, v25  }
0x6a: {  	v12 =	vmul.f32 v15, v4;
	v6 =	vmul.f32 v24, v4;
	v15 =	vsub.f32 v21, v22  }
0x6b: {  	v21 =	vsub.f32 v26, v3;
	v22 =	vmul.f32 v7, v5;
	v24 =	vtrunc.f32 v19  }
0x6c: {  	v7 =	vsub.f32 v29, v3;
	v25 =	vtrunc.f32 v13;
	v29 =	vcvt.f32.s32 v60  }
0x6d: {  	vm11 =	vlt.s32 v30, $0x166;
	v24 =	vcvt.f32.s32 v24;
	v21 =	vmul.f32 v21, v5  }
0x6e: {  	v20 =	vsub.f32 v23, v14;
	v23 =	vmul.f32 v7, v5;
	v7 =	vtrunc.f32 v17  }
0x6f: {  	v30 =	vnsel vm11, $0x166, v30;
	v26 =	vtrunc.f32 v12;
	v27 =	vtrunc.f32 v6  }
0x70: {  	vm1 =	vlt.s32 v29, $0xB3;
	v7 =	vcvt.f32.s32 v7;
	vm2 =	vlt.s32 v24, $0xB3  }
0x71: {  	v29 =	vnsel vm1, $0xB3, v29;
	v15 =	vmul.f32 v20, v15;
	v20 =	vmul.f32 v10, v5  }
0x72: {  	v32 =	vtrunc.f32 v21;
	v33 =	vtrunc.f32 v23;
	v24 =	vnsel vm2, $0xB3, v24  }
0x73: {  	v61 =	vcvt.f32.s32 v33;
	v2 =	vadd.f32 v15, v14;
	v14 =	vcvt.f32.s32 v25  }
0x74: {  	vm15 =	vlt.s32 v7, $0xB3;
	v15 =	vcvt.f32.s32 v26;
	v25 =	vcvt.f32.s32 v27  }
0x75: {  	v37 =	vmul.u32 $0x168, v24;
	v26 =	vtrunc.f32 v22;
	v27 =	vcvt.f32.s32 v28  }
0x76: {  	v28 =	vtrunc.f32 v8;
	v31 =	vtrunc.f32 v20;
	v35 =	vnsel vm15, $0xB3, v7  }
0x77: {  	v7 =	vcvt.f32.s32 v32;
	vm15 =	vlt.s32 v62, $0x166;
	v26 =	vcvt.f32.s32 v26  }
0x78: {  	v28 =	vcvt.f32.s32 v28;
	v37 =	vadd.s32 v37, v30;
	vm3 =	vlt.s32 v14, $0xB3  }
0x79: {  	vm4 =	vlt.s32 v15, $0xB3;
	v51 =	vadd.s32 $0x1, v37;
	v34 =	vnsel vm3, $0xB3, v14  }
0x7a: {  	v36 =	vnsel vm4, $0xB3, v15;
	vm9 =	vlt.s32 v26, $0x166;
	v14 =	vmul.u32 $0x168, v35  }
0x7b: {  	vm10 =	vlt.s32 v28, $0x166;
	v15 =	vmul.u32 $0x168, v29;
	v26 =	vnsel vm9, $0x166, v26  }
0x7c: {  	v31 =	vcvt.f32.s32 v31;
	v28 =	vnsel vm10, $0x166, v28;
	v14 =	vadd.s32 v14, v26  }
0x7d: {  	vm14 =	vlt.s32 v61, $0x166;
	v33 =	vnsel vm15, $0x166, v62;
	v15 =	vadd.s32 v15, v28  }
0x7e: {  	v30 =	vcvt.s32.f32 v30;
	vm5 =	vlt.s32 v25, $0xB3;
	v38 =	vadd.s32 $0x1, v14  }
0x7f: {  	[tilespmem:$0x1FF70] =	vst v2;
	vm6 =	vlt.s32 v27, $0xB3;
	vm13 =	vlt.s32 v7, $0x166;
	v41 =	vadd.s32 $0x168, v14  }
0x80: {  	v32 =	vnsel vm14, $0x166, v61;
	v10 =	vadd.s32 $0x169, v37;
	v44 =	vadd.s32 $0x169, v14;
	v51 =	vld.idx.msk [tilespmem:v51+s3+$0x0], $0xffff  }
0x81: {  	v25 =	vnsel vm5, $0xB3, v25;
	v27 =	vnsel vm6, $0xB3, v27;
	v45 =	vadd.s32 $0x1, v15;
	v46 =	vld.idx.msk [tilespmem:v14+s3+$0x0], $0xffff  }
0x82: {  	vm12 =	vlt.s32 v31, $0x166;
	v39 =	vmul.u32 $0x168, v34;
	v48 =	vadd.s32 $0x168, v15;
	v49 =	vld.idx.msk [tilespmem:v15+s3+$0x0], $0xffff  }
0x83: {  	v43 =	vmul.u32 $0x168, v27;
	v31 =	vnsel vm12, $0x166, v31;
	v50 =	vadd.s32 $0x169, v15;
	v38 =	vld.idx.msk [tilespmem:v38+s3+$0x0], $0xffff  }
0x84: {  	v47 =	vnsel vm13, $0x166, v7;
	v40 =	vmul.u32 $0x168, v36;
	v39 =	vadd.s32 v39, v31;
	v41 =	vld.idx.msk [tilespmem:v41+s3+$0x0], $0xffff  }
0x85: {  	v42 =	vmul.u32 $0x168, v25;
	v7 =	vadd.s32 v43, v33;
	v53 =	vadd.s32 $0x168, v39;
	v43 =	vld.idx.msk [tilespmem:v44+s3+$0x0], $0xffff  }
0x86: {  	v61 =	vcvt.s32.f32 v47;
	v40 =	vadd.s32 v40, v47;
	v47 =	vadd.s32 $0x169, v7;
	v45 =	vld.idx.msk [tilespmem:v45+s3+$0x0], $0xffff  }
0x87: {  	v30 =	vsub.f32 v9, v30;
	v14 =	vadd.s32 v42, v32;
	v42 =	vadd.s32 $0x168, v37;
	v48 =	vld.idx.msk [tilespmem:v48+s3+$0x0], $0xffff  }
0x88: {  	v35 =	vcvt.s32.f32 v35;
	v31 =	vcvt.s32.f32 v31;
	v52 =	vadd.s32 $0x1, v39;
	v50 =	vld.idx.msk [tilespmem:v50+s3+$0x0], $0xffff  }
0x89: {  	v36 =	vcvt.s32.f32 v36;
	v26 =	vcvt.s32.f32 v26;
	v54 =	vadd.s32 $0x169, v39;
	v44 =	vld.idx.msk [tilespmem:v10+s3+$0x0], $0xffff  }
0x8a: {  	v28 =	vcvt.s32.f32 v28;
	v56 =	vadd.s32 $0x168, v40;
	v31 =	vsub.f32 v20, v31;
	v20 =	vld.idx.msk [tilespmem:v53+s3+$0x0], $0xffff  }
0x8b: {  	v35 =	vsub.f32 v17, v35;
	v55 =	vadd.s32 $0x1, v40;
	v22 =	vsub.f32 v22, v26;
	v47 =	vld.idx.msk [tilespmem:v47+s3+$0x0], $0xffff  }
0x8c: {  	v28 =	vsub.f32 v8, v28;
	v8 =	vcvt.s32.f32 v32;
	v59 =	vadd.s32 $0x169, v14;
	v26 =	vld.idx.msk [tilespmem:v42+s3+$0x0], $0xffff  }
0x8d: {  	v57 =	vadd.s32 $0x169, v40;
	v60 =	vadd.s32 $0x168, v7;
	v62 =	vsub.f32 v38, v46;
	v38 =	vld.idx.msk [tilespmem:v52+s3+$0x0], $0xffff  }
0x8e: {  	v58 =	vadd.s32 $0x168, v14;
	v10 =	vsub.f32 v23, v8;
	v53 =	vsub.f32 v43, v41;
	v43 =	vld.idx.msk [tilespmem:v54+s3+$0x0], $0xffff  }
0x8f: {  	v42 =	vsub.f32 v21, v61;
	v21 =	vcvt.s32.f32 v33;
	v61 =	vsub.f32 v45, v49;
	v52 =	vld.idx.msk [tilespmem:v56+s3+$0x0], $0xffff  }
0x90: {  	v8 =	vsub.f32 v12, v36;
	v23 =	vmul.f32 v22, v62;
	v62 =	vsub.f32 v50, v48;
	v50 =	vld.idx.msk [tilespmem:v55+s3+$0x0], $0xffff  }
0x91: {  	v9 =	vsub.f32 v16, v21;
	v16 =	vmul.f32 v22, v53;
	v21 =	vmul.f32 v28, v61;
	v55 =	vld.idx.msk [tilespmem:v59+s3+$0x0], $0xffff  }
0x92: {  	v46 =	vadd.f32 v23, v46;
	v22 =	vmul.f32 v28, v62;
	v28 =	vld.idx.msk [tilespmem:v57+s3+$0x0], $0xffff;
	v53 =	vsub.f32 v44, v26  }
0x93: {  	v23 =	vadd.f32 v16, v41;
	v16 =	vld.idx.msk [tilespmem:v58+s3+$0x0], $0xffff;
	v54 =	vadd.f32 v21, v49  }
0x94: {  	v58 =	vcvt.s32.f32 v25;
	v25 =	vld.idx.msk [tilespmem:v40+s3+$0x0], $0xffff;
	v43 =	vsub.f32 v43, v20;
	v32 =	vmul.f32 v30, v53  }
0x95: {  	v24 =	vcvt.s32.f32 v24;
	v21 =	vadd.f32 v22, v48;
	v56 =	vsub.f32 v23, v46;
	v23 =	vld.idx.msk [tilespmem:v60+s3+$0x0], $0xffff  }
0x96: {  	v27 =	vcvt.s32.f32 v27;
	v6 =	vsub.f32 v6, v58;
	v17 =	vadd.f32 v32, v26;
	v26 =	vld.idx.msk [tilespmem:v37+s3+$0x0], $0xffff  }
0x97: {  	s17 =	simm.s32 $0x13240;
	v57 =	vsub.f32 v21, v54;
	v21 =	vsub.f32 v19, v24;
	v24 =	vld.idx.msk [tilespmem:v39+s3+$0x0], $0xffff;
	[tilespmem:$0x1FF90] =	vst v8  }
0x98: {  	v22 =	vcvt.s32.f32 v34;
	v59 =	vld [tilespmem:s17+$0xFFFFFFC0];
	[tilespmem:$0x1FFA0] =	vst v6;
	v6 =	vsub.f32 v18, v27  }
0x99: {  	v29 =	vcvt.s32.f32 v29;
	v19 =	vmul.f32 v31, v43  }
0x9a: {  	v22 =	vsub.f32 v13, v22;
	v13 =	vsub.f32 v28, v52;
	v28 =	vmul.f32 v56, v35;
	[tilespmem:$0x1FF60] =	vst v6  }
0x9b: {  	v29 =	vsub.f32 v11, v29;
	v60 =	vld [tilespmem:s17+$0xFFFFFFD0]  }
0x9c: {  	v2 =	vadd.f32 v19, v20;
	v20 =	vadd.f32 v28, v46;
	v28 =	vld [tilespmem:s17+$0xFFFFFFE0]  }
0x9d: {  	v19 =	vmul.f32 v42, v13;
	v62 =	vld [tilespmem:s17+$0xFFFFFFF0]  }
0x9e: {  	v27 =	vmul.f32 v57, v29;
	v40 =	vld [tilespmem:s17+$0x0]  }
0x9f: {  	v29 =	vsub.f32 v55, v16;
	v41 =	vld [tilespmem:s17+$0x10];
	v18 =	vadd.f32 v19, v52  }
0xa0: {  	v15 =	vadd.s32 $0x1, v14;
	v44 =	vld [tilespmem:s17+$0x20];
	v19 =	vadd.f32 v27, v54;
	v27 =	vsub.f32 v51, v26  }
0xa1: {  	v36 =	vadd.s32 $0x1, v7;
	v35 =	vmul.f32 v10, v29;
	v45 =	vld [tilespmem:s17+$0x30];
	v29 =	vsub.f32 v38, v24  }
0xa2: {  	v48 =	vsub.f32 v59, v3;
	v39 =	vmul.f32 v30, v27;
	v30 =	vsub.f32 v50, v25  }
0xa3: {  	s1 =	simm.s32 $0x10040;
	v27 =	vmul.f32 v31, v29;
	v49 =	vsub.f32 v60, v3;
	v50 =	vsub.f32 v28, v3  }
0xa4: {  	v56 =	vld [tilespmem:s1+$0xFFFFFFC0];
	v31 =	vmul.f32 $2.777777850e-03, v48;
	v51 =	vsub.f32 v62, v3;
	v52 =	vsub.f32 v40, v3  }
0xa5: {  	v29 =	vmul.f32 v42, v30;
	v53 =	vsub.f32 v41, v3;
	v54 =	vsub.f32 v44, v3  }
0xa6: {  	v55 =	vsub.f32 v45, v3;
	v30 =	vmul.f32 $2.777777850e-03, v49;
	v33 =	vmul.f32 $2.777777850e-03, v50  }
0xa7: {  	v31 =	vadd.f32 $4.000000000e+00, v31;
	v42 =	vmul.f32 $2.777777850e-03, v51;
	v43 =	vmul.f32 $2.777777850e-03, v52  }
0xa8: {  	v61 =	vsub.f32 v47, v23;
	v46 =	vmul.f32 $2.777777850e-03, v53;
	v47 =	vmul.f32 $2.777777850e-03, v54  }
0xa9: {  	v48 =	vmul.f32 $2.777777850e-03, v55;
	v49 =	vmax.f32 v56, v63;
	v31 =	vtrunc.f32 v31  }
0xaa: {  	v30 =	vadd.f32 $4.000000000e+00, v30;
	v31 =	vcvt.f32.s32 v31;
	v33 =	vadd.f32 $4.000000000e+00, v33  }
0xab: {  	v58 =	vmin.f32 v49, v0;
	v42 =	vadd.f32 $4.000000000e+00, v42;
	v43 =	vadd.f32 $4.000000000e+00, v43  }
0xac: {  	v46 =	vadd.f32 $4.000000000e+00, v46;
	v47 =	vadd.f32 $4.000000000e+00, v47;
	v31 =	vcvt.s32.f32 v31  }
0xad: {  	v50 =	vld [tilespmem:s1+$0xFFFFFFE0];
	v48 =	vadd.f32 $4.000000000e+00, v48;
	v30 =	vtrunc.f32 v30;
	v33 =	vtrunc.f32 v33  }
0xae: {  	v51 =	vld [tilespmem:s1+$0xFFFFFFF0];
	v42 =	vtrunc.f32 v42;
	v43 =	vtrunc.f32 v43;
	v30 =	vadd.f32 $-4.000000000e+00, v30  }
0xaf: {  	v46 =	vtrunc.f32 v46;
	v33 =	vadd.f32 $-4.000000000e+00, v33;
	v42 =	vadd.f32 $-4.000000000e+00, v42  }
0xb0: {  	v47 =	vtrunc.f32 v47;
	v57 =	vadd.f32 $-4.000000000e+00, v43;
	v46 =	vadd.f32 $-4.000000000e+00, v46  }
0xb1: {  	v48 =	vtrunc.f32 v48;
	v47 =	vadd.f32 $-4.000000000e+00, v47;
	v31 =	vadd.f32 $-4.000000000e+00, v31  }
0xb2: {  	v38 =	vmul.f32 v9, v61;
	v43 =	vsub.f32 v58, v63;
	v48 =	vadd.f32 $-4.000000000e+00, v48  }
0xb3: {  	v50 =	vmax.f32 v50, v63;
	v51 =	vmax.f32 v51, v63;
	v31 =	vmul.f32 $3.600000000e+02, v31  }
0xb4: {  	v50 =	vmin.f32 v50, v0;
	v30 =	vmul.f32 $3.600000000e+02, v30;
	v33 =	vmul.f32 $3.600000000e+02, v33  }
0xb5: {  	v61 =	vld [tilespmem:s1+$0x10];
	v43 =	vmul.f32 v43, v4;
	v42 =	vmul.f32 $3.600000000e+02, v42;
	v31 =	vsub.f32 v59, v31  }
0xb6: {  	v12 =	vmovc v9;
	v9 =	vld [tilespmem:s1+$0x20];
	v51 =	vmin.f32 v51, v0;
	v32 =	vmul.f32 $3.600000000e+02, v57;
	v56 =	vmul.f32 $3.600000000e+02, v48  }
0xb7: {  	v50 =	vsub.f32 v50, v63;
	v51 =	vsub.f32 v51, v63;
	v31 =	vmax.f32 v31, v3  }
0xb8: {  	v30 =	vsub.f32 v60, v30;
	v28 =	vsub.f32 v28, v33;
	v31 =	vmin.f32 v31, v1  }
0xb9: {  	v60 =	vtrunc.f32 v43;
	v37 =	vsub.f32 v62, v42;
	v31 =	vsub.f32 v31, v3  }
0xba: {  	v62 =	vmul.f32 $3.600000000e+02, v47;
	v32 =	vsub.f32 v40, v32;
	v40 =	vsub.f32 v45, v56  }
0xbb: {  	v33 =	vmax.f32 v61, v63;
	v47 =	vmax.f32 v9, v63;
	v31 =	vmul.f32 v31, v5  }
0xbc: {  	v49 =	vld [tilespmem:s1+$0xFFFFFFD0];
	v59 =	vmul.f32 $3.600000000e+02, v46;
	v52 =	vcvt.f32.s32 v60;
	v33 =	vmin.f32 v33, v0  }
0xbd: {  	v11 =	vmovc v10;
	v47 =	vmin.f32 v47, v0;
	v42 =	vsub.f32 v44, v62;
	v10 =	vtrunc.f32 v31  }
0xbe: {  	v30 =	vmax.f32 v30, v3;
	vm7 =	vlt.s32 v52, $0xB3;
	v53 =	vcvt.f32.s32 v10  }
0xbf: {  	v57 =	vld [tilespmem:s1+$0x30];
	v28 =	vmax.f32 v28, v3;
	v34 =	vsub.f32 v41, v59;
	v41 =	vnsel vm7, $0xB3, v52  }
0xc0: {  	v37 =	vmax.f32 v37, v3;
	v58 =	vmul.u32 $0x168, v41;
	vm8 =	vlt.s32 v53, $0x166  }
0xc1: {  	v32 =	vmax.f32 v32, v3;
	v59 =	vmax.f32 v49, v63;
	v49 =	vnsel vm8, $0x166, v53  }
0xc2: {  	v46 =	vld [tilespmem:s1+$0x0];
	v40 =	vmax.f32 v40, v3;
	v55 =	vsub.f32 v33, v63;
	v44 =	vadd.s32 v58, v49  }
0xc3: {  	v47 =	vsub.f32 v47, v63;
	v33 =	vmul.f32 v51, v4;
	v60 =	vadd.s32 $0x1, v44  }
0xc4: {  	v48 =	vmax.f32 v57, v63;
	v30 =	vmin.f32 v30, v1;
	v61 =	vadd.s32 $0x168, v44  }
0xc5: {  	v28 =	vmin.f32 v28, v1;
	v9 =	vmin.f32 v37, v1;
	v62 =	vadd.s32 $0x169, v44  }
0xc6: {  	v40 =	vmin.f32 v40, v1;
	v45 =	vmin.f32 v59, v0;
	v48 =	vmin.f32 v48, v0  }
0xc7: {  	v42 =	vmax.f32 v42, v3;
	v34 =	vmax.f32 v34, v3;
	v46 =	vmax.f32 v46, v63;
	v44 =	vld.idx.msk [tilespmem:v44+s3+$0x0], $0xffff  }
0xc8: {  	v45 =	vsub.f32 v45, v63;
	v48 =	vsub.f32 v48, v63;
	v46 =	vmin.f32 v46, v0;
	v52 =	vld.idx.msk [tilespmem:v60+s3+$0x0], $0xffff  }
0xc9: {  	v42 =	vmin.f32 v42, v1;
	v41 =	vcvt.s32.f32 v41;
	v46 =	vsub.f32 v46, v63;
	v53 =	vld.idx.msk [tilespmem:v61+s3+$0x0], $0xffff  }
0xca: {  	v10 =	vmin.f32 v32, v1;
	v37 =	vcvt.s32.f32 v49;
	v49 =	vmin.f32 v34, v1;
	v54 =	vld.idx.msk [tilespmem:v62+s3+$0x0], $0xffff  }
0xcb: {  	v1 =	vmul.f32 v50, v4;
	v34 =	vmul.f32 v46, v4;
	v49 =	vsub.f32 v49, v3  }
0xcc: {  	v58 =	vtrunc.f32 v33;
	v60 =	vsub.f32 v30, v3;
	v61 =	vsub.f32 v28, v3  }
0xcd: {  	v59 =	vtrunc.f32 v34;
	v28 =	vsub.f32 v31, v37;
	v62 =	vsub.f32 v9, v3  }
0xce: {  	v37 =	vmul.f32 v45, v4;
	v9 =	vsub.f32 v10, v3;
	v30 =	vsub.f32 v52, v44  }
0xcf: {  	v45 =	vmul.f32 v62, v5;
	v31 =	vsub.f32 v54, v53;
	v54 =	vld.idx.msk [tilespmem:v36+s3+$0x0], $0xffff;
	v36 =	vadd.f32 v35, v16  }
0xd0: {  	v16 =	vmul.f32 v49, v5;
	v35 =	vadd.f32 v38, v23;
	v30 =	vmul.f32 v28, v30  }
0xd1: {  	v28 =	vmul.f32 v28, v31;
	v31 =	vmul.f32 v55, v4;
	v55 =	vsub.f32 v43, v41  }
0xd2: {  	v43 =	vld.idx.msk [tilespmem:v7+s3+$0x0], $0xffff;
	v7 =	vsub.f32 v40, v3;
	v41 =	vmul.f32 v9, v5;
	v10 =	vadd.f32 v30, v44  }
0xd3: {  	v53 =	vadd.f32 v28, v53;
	v30 =	vmul.f32 v47, v4;
	v28 =	vmul.f32 v48, v4  }
0xd4: {  	v48 =	vmul.f32 v60, v5;
	v44 =	vld.idx.msk [tilespmem:v14+s3+$0x0], $0xffff;
	v14 =	vsub.f32 v42, v3;
	v42 =	vmul.f32 v61, v5  }
0xd5: {  	v23 =	vmul.f32 v7, v5;
	v7 =	vadd.f32 v39, v26;
	v26 =	vtrunc.f32 v1  }
0xd6: {  	v60 =	vtrunc.f32 v31;
	v32 =	vtrunc.f32 v41  }
0xd7: {  	v13 =	vadd.f32 v27, v24;
	v27 =	vcvt.f32.s32 v26;
	v38 =	vcvt.f32.s32 v60  }
0xd8: {  	v60 =	vtrunc.f32 v16;
	v49 =	vmul.f32 v14, v5  }
0xd9: {  	v14 =	vtrunc.f32 v37;
	v61 =	vtrunc.f32 v30  }
0xda: {  	v62 =	vtrunc.f32 v28;
	v40 =	vtrunc.f32 v48  }
0xdb: {  	v56 =	vsub.f32 v53, v10;
	v9 =	vtrunc.f32 v42;
	v53 =	vcvt.f32.s32 v32  }
0xdc: {  	v15 =	vld.idx.msk [tilespmem:v15+s3+$0x0], $0xffff;
	v24 =	vcvt.f32.s32 v14;
	v14 =	vadd.f32 v29, v25;
	v25 =	vcvt.f32.s32 v58  }
0xdd: {  	v29 =	vcvt.f32.s32 v59;
	v39 =	vcvt.f32.s32 v61  }
0xde: {  	v47 =	vsub.f32 v54, v43;
	v46 =	vcvt.f32.s32 v62;
	v62 =	vtrunc.f32 v23  }
0xdf: {  	vm10 =	vlt.s32 v27, $0xB3;
	v40 =	vcvt.f32.s32 v40;
	v51 =	vcvt.f32.s32 v9  }
0xe0: {  	vm13 =	vlt.s32 v38, $0xB3;
	v54 =	vcvt.f32.s32 v60;
	v57 =	vmul.f32 v56, v55  }
0xe1: {  	v61 =	vtrunc.f32 v49;
	v58 =	vnsel vm13, $0xB3, v38;
	v50 =	vsub.f32 v15, v44  }
0xe2: {  	vm9 =	vlt.s32 v24, $0xB3;
	vm11 =	vlt.s32 v25, $0xB3;
	vm12 =	vlt.s32 v29, $0xB3  }
0xe3: {  	vm14 =	vlt.s32 v39, $0xB3;
	vm15 =	vlt.s32 v46, $0xB3;
	v55 =	vcvt.f32.s32 v61  }
0xe4: {  	vm13 =	vlt.s32 v54, $0x166;
	v61 =	vmul.u32 $0x168, v58;
	v47 =	vmul.f32 v12, v47  }
0xe5: {  	v26 =	vadd.f32 v57, v10;
	v10 =	vtrunc.f32 v45;
	v0 =	vnsel vm9, $0xB3, v24  }
0xe6: {  	v57 =	vnsel vm10, $0xB3, v27;
	v25 =	vnsel vm11, $0xB3, v25;
	v27 =	vcvt.f32.s32 v62  }
0xe7: {  	v56 =	vnsel vm12, $0xB3, v29;
	v39 =	vnsel vm14, $0xB3, v39;
	vm9 =	vlt.s32 v40, $0x166  }
0xe8: {  	vm10 =	vlt.s32 v51, $0x166;
	v38 =	vnsel vm15, $0xB3, v46;
	vm12 =	vlt.s32 v53, $0x166  }
0xe9: {  	v54 =	vnsel vm13, $0x166, v54;
	v52 =	vcvt.f32.s32 v10;
	v29 =	vmul.u32 $0x168, v0  }
0xea: {  	vm14 =	vlt.s32 v55, $0x166;
	v9 =	vmul.u32 $0x168, v57;
	v40 =	vnsel vm9, $0x166, v40  }
0xeb: {  	v10 =	vmul.u32 $0x168, v25;
	v32 =	vmul.u32 $0x168, v56;
	v29 =	vadd.s32 v29, v40  }
0xec: {  	v51 =	vnsel vm10, $0x166, v51;
	v53 =	vnsel vm12, $0x166, v53;
	v62 =	vadd.s32 $0x1, v29  }
0xed: {  	v61 =	vadd.s32 v61, v54;
	v54 =	vcvt.s32.f32 v54;
	v8 =	vadd.s32 $0x169, v29  }
0xee: {  	v24 =	vmovc v63;
	vm11 =	vlt.s32 v52, $0x166;
	v46 =	vadd.s32 v9, v51;
	v63 =	vadd.s32 $0x168, v29  }
0xef: {  	v50 =	vmul.f32 v11, v50;
	v52 =	vnsel vm11, $0x166, v52;
	v6 =	vadd.s32 $0x1, v46  }
0xf0: {  	v0 =	vcvt.s32.f32 v0;
	v40 =	vcvt.s32.f32 v40;
	v59 =	vadd.s32 v10, v52;
	v10 =	vld.idx.msk [tilespmem:v29+s3+$0x0], $0xffff  }
0xf1: {  	v29 =	vcvt.s32.f32 v52;
	v52 =	vadd.s32 v32, v53;
	v32 =	vadd.s32 $0x168, v46;
	v62 =	vld.idx.msk [tilespmem:v62+s3+$0x0], $0xffff  }
0xf2: {  	vm15 =	vlt.s32 v27, $0x166;
	v51 =	vcvt.s32.f32 v51;
	v48 =	vsub.f32 v48, v40;
	v11 =	vld.idx.msk [tilespmem:v8+s3+$0x0], $0xffff  }
0xf3: {  	v40 =	vsub.f32 v45, v29;
	v45 =	vadd.s32 $0x169, v46;
	v29 =	vcvt.s32.f32 v53;
	v53 =	vld.idx.msk [tilespmem:v63+s3+$0x0], $0xffff  }
0xf4: {  	v51 =	vsub.f32 v42, v51;
	v9 =	vadd.s32 $0x168, v59;
	v6 =	vld.idx.msk [tilespmem:v6+s3+$0x0], $0xffff;
	v8 =	vmul.u32 $0x168, v38  }
0xf5: {  	v46 =	vld.idx.msk [tilespmem:v46+s3+$0x0], $0xffff;
	v42 =	vsub.f32 v41, v29;
	v41 =	vsub.f32 v16, v54;
	v16 =	vadd.s32 $0x169, v59  }
0xf6: {  	v63 =	vmul.u32 $0x168, v39;
	v54 =	vnsel vm14, $0x166, v55;
	v55 =	vld.idx.msk [tilespmem:v32+s3+$0x0], $0xffff;
	v32 =	vnsel vm15, $0x166, v27  }
0xf7: {  	v60 =	vsub.f32 v62, v10;
	v27 =	vadd.s32 v8, v32;
	v32 =	vcvt.s32.f32 v32  }
0xf8: {  	v29 =	vadd.s32 v63, v54;
	v63 =	vld.idx.msk [tilespmem:v45+s3+$0x0], $0xffff;
	v45 =	vcvt.s32.f32 v54;
	v11 =	vsub.f32 v11, v53  }
0xf9: {  	v62 =	vld.idx.msk [tilespmem:v9+s3+$0x0], $0xffff;
	v60 =	vmul.f32 v48, v60;
	v9 =	vsub.f32 v23, v32;
	v32 =	vadd.s32 $0x1, v52  }
0xfa: {  	v6 =	vsub.f32 v6, v46;
	v8 =	vsub.f32 v49, v45;
	v49 =	vadd.s32 $0x168, v52;
	v23 =	vld.idx.msk [tilespmem:v16+s3+$0x0], $0xffff  }
0xfb: {  	v11 =	vmul.f32 v48, v11;
	v45 =	vadd.f32 v60, v10;
	v10 =	vadd.s32 $0x169, v52  }
0xfc: {  	v54 =	vsub.f32 v17, v7;
	v6 =	vmul.f32 v51, v6;
	v60 =	vadd.s32 $0x1, v59  }
0xfd: {  	v4 =	vld [tilespmem:$0x1FF70];
	v16 =	vadd.f32 v50, v44;
	v11 =	vadd.f32 v11, v53;
	v53 =	vadd.s32 $0x169, v61  }
0xfe: {  	v46 =	vadd.f32 v6, v46;
	v6 =	vadd.s32 $0x1, v29;
	v63 =	vsub.f32 v63, v55;
	v44 =	vld.idx.msk [tilespmem:v32+s3+$0x0], $0xffff  }
0xff: {  	v17 =	vadd.f32 v47, v43;
	v47 =	vadd.s32 $0x1, v61;
	v49 =	vld.idx.msk [tilespmem:v49+s3+$0x0], $0xffff;
	v23 =	vsub.f32 v23, v62  }
0x100: {  	v0 =	vsub.f32 v37, v0;
	v50 =	vmul.f32 v51, v63;
	v51 =	vadd.s32 $0x168, v61;
	v10 =	vld.idx.msk [tilespmem:v10+s3+$0x0], $0xffff  }
0x101: {  	v48 =	vmul.f32 v54, v21;
	v43 =	vld.idx.msk [tilespmem:v60+s3+$0x0], $0xffff;
	v60 =	vadd.s32 $0x168, v29;
	v23 =	vmul.f32 v40, v23  }
0x102: {  	v54 =	vadd.s32 $0x169, v29;
	v32 =	vsub.f32 v2, v13;
	v63 =	vld.idx.msk [tilespmem:v53+s3+$0x0], $0xffff;
	v53 =	vcvt.s32.f32 v57  }
0x103: {  	s14 =	simm.s32 $0x163C0;
	v11 =	vsub.f32 v11, v45;
	v2 =	vadd.f32 v23, v62;
	v23 =	vld.idx.msk [tilespmem:v6+s3+$0x0], $0xffff;
	v6 =	vcvt.s32.f32 v56  }
0x104: {  	[tilespmem:s14+$0xFFFFFFD0] =	vst v20;
	v21 =	vld.idx.msk [tilespmem:v47+s3+$0x0], $0xffff;
	v20 =	vsub.f32 v1, v53  }
0x105: {  	v53 =	vmul.f32 v11, v0;
	v51 =	vld.idx.msk [tilespmem:v51+s3+$0x0], $0xffff;
	v10 =	vsub.f32 v10, v49;
	v0 =	vsub.f32 v34, v6  }
0x106: {  	[tilespmem:s14+$0xFFFFFFC0] =	vst v4;
	v55 =	vadd.f32 v50, v55;
	v47 =	vld.idx.msk [tilespmem:v60+s3+$0x0], $0xffff  }
0x107: {  	v50 =	vmul.f32 v32, v22;
	v32 =	vmul.f32 v42, v10;
	v10 =	vld.idx.msk [tilespmem:v54+s3+$0x0], $0xffff;
	[tilespmem:$0x1FF80] =	vst v0  }
0x108: {  	s17 =	simm.s32 $0x16440;
	[tilespmem:s14+$0xFFFFFFE0] =	vst v19  }
0x109: {  	v37 =	vadd.s32 $0x1, v27;
	[tilespmem:s17+$0xFFFFFFC0] =	vst v26  }
0x10a: {  	v0 =	vld [tilespmem:$0x1FF90]  }
0x10b: {  	v62 =	vadd.s32 $0x168, v27  }
0x10c: {  	v25 =	vcvt.s32.f32 v25;
	v12 =	vadd.s32 $0x169, v27;
	v1 =	vcvt.s32.f32 v58  }
0x10d: {  	v26 =	vsub.f32 v18, v14  }
0x10e: {  	v60 =	vsub.f32 v33, v25;
	v33 =	vsub.f32 v31, v1;
	v25 =	vld.idx.msk [tilespmem:v37+s3+$0x0], $0xffff  }
0x10f: {  	v6 =	vcvt.s32.f32 v39;
	v1 =	vsub.f32 v36, v16;
	v36 =	vmul.f32 v26, v0;
	v0 =	vld [tilespmem:$0x1FFA0]  }
0x110: {  	v31 =	vsub.f32 v55, v46;
	v19 =	vld.idx.msk [tilespmem:v62+s3+$0x0], $0xffff  }
0x111: {  	v34 =	vsub.f32 v30, v6;
	v18 =	vcvt.s32.f32 v38;
	v39 =	vld.idx.msk [tilespmem:v12+s3+$0x0], $0xffff  }
0x112: {  	v54 =	vmul.f32 v31, v20;
	v20 =	vld.idx.msk [tilespmem:v59+s3+$0x0], $0xffff;
	v22 =	vadd.f32 v32, v49;
	v6 =	vsub.f32 v63, v51  }
0x113: {  	v57 =	vmovc v8;
	v58 =	vmov v9;
	v18 =	vsub.f32 v28, v18;
	v28 =	vld.idx.msk [tilespmem:v52+s3+$0x0], $0xffff;
	v52 =	vsub.f32 v35, v17  }
0x114: {  	s6 =	simm.s32 $0x80;
	s7 =	simm.s32 $0x132C0;
	s15 =	simm.s32 $0x16440;
	v30 =	vld.idx.msk [tilespmem:v61+s3+$0x0], $0xffff;
	v31 =	vmul.f32 v41, v6;
	v35 =	vsub.f32 v10, v47;
	v26 =	vmul.f32 v1, v0  }
.LBB2_3:
0x115: {  	v37 =	vld [tilespmem:s7+$0xFFFFFFC0]  }
0x116: {  	v0 =	vld [tilespmem:$0x1FF60]  }
0x117: {  	v61 =	vld [tilespmem:s7+$0xFFFFFFD0]  }
0x118: {  	v63 =	vld [tilespmem:s7+$0xFFFFFFE0]  }
0x119: {  	v38 =	vadd.f32 v53, v45;
	v62 =	vadd.f32 v54, v46;
	v10 =	vld [tilespmem:s7+$0xFFFFFFF0]  }
0x11a: {  	v15 =	vadd.f32 v50, v13;
	v11 =	vld [tilespmem:s7+$0x0];
	v1 =	vadd.f32 v31, v51  }
0x11b: {  	v45 =	vld [tilespmem:s7+$0x10];
	v16 =	vadd.f32 v26, v16;
	v7 =	vadd.f32 v48, v7  }
0x11c: {  	v5 =	vmov v33;
	v46 =	vld [tilespmem:s7+$0x20];
	v9 =	vsub.f32 v39, v19;
	v43 =	vsub.f32 v43, v20  }
0x11d: {  	[tilespmem:$0x1FF30] =	vst v5;
	v44 =	vsub.f32 v44, v28;
	v21 =	vsub.f32 v21, v30  }
0x11e: {  	s1 =	sadd.s32 $0x80, s1;
	v4 =	vmov v34;
	[tilespmem:s14+$0x0] =	vst v15;
	v32 =	vsub.f32 v37, v3;
	v15 =	vsub.f32 v61, v3  }
0x11f: {  	v35 =	vmul.f32 v57, v35;
	v55 =	vld [tilespmem:s1+$0xFFFFFFC0];
	[tilespmem:$0x1FF50] =	vst v4;
	v48 =	vsub.f32 v63, v3;
	v49 =	vsub.f32 v10, v3  }
0x120: {  	[tilespmem:s17+$0xFFFFFFD0] =	vst v38;
	v4 =	vld [tilespmem:$0x1FFC0];
	v31 =	vmul.f32 v52, v0;
	v51 =	vsub.f32 v11, v3;
	v52 =	vsub.f32 v45, v3  }
0x121: {  	v0 =	vmovc v18;
	v53 =	vsub.f32 v46, v3;
	v38 =	vmul.f32 v58, v9;
	v43 =	vmul.f32 v40, v43  }
0x122: {  	[tilespmem:s14+$0xFFFFFFF0] =	vst v7;
	v7 =	vadd.f32 v36, v14;
	v14 =	vmul.f32 v42, v44;
	v40 =	vmul.f32 v41, v21  }
0x123: {  	v5 =	vld [tilespmem:$0x1FFE0];
	[tilespmem:$0x1FF60] =	vst v0;
	v0 =	vadd.f32 v35, v47;
	v36 =	vmul.f32 $2.777777850e-03, v32;
	v15 =	vmul.f32 $2.777777850e-03, v15  }
0x124: {  	v21 =	vld.idx.msk [tilespmem:v27+s3+$0x0], $0xffff;
	v47 =	vmax.f32 v55, v24;
	v50 =	vmul.f32 $2.777777850e-03, v48;
	v27 =	vmul.f32 $2.777777850e-03, v49  }
0x125: {  	v47 =	vmin.f32 v47, v4;
	v17 =	vadd.f32 v31, v17;
	[tilespmem:$0x1FEB0] =	vst v0;
	v0 =	vadd.f32 v38, v19  }
0x126: {  	v42 =	vld [tilespmem:s7+$0x30];
	v41 =	vmul.f32 $2.777777850e-03, v52;
	[tilespmem:s14+$0x10] =	vst v7;
	v7 =	vadd.f32 v43, v20;
	v47 =	vsub.f32 v47, v24  }
0x127: {  	v20 =	vld.idx.msk [tilespmem:v29+s3+$0x0], $0xffff;
	v38 =	vmul.f32 $2.777777850e-03, v51;
	v29 =	vadd.f32 $4.000000000e+00, v36;
	v15 =	vadd.f32 $4.000000000e+00, v15  }
0x128: {  	v43 =	vmul.f32 $2.777777850e-03, v53;
	v36 =	vadd.f32 $4.000000000e+00, v50;
	v27 =	vadd.f32 $4.000000000e+00, v27  }
0x129: {  	[tilespmem:s17+$0xFFFFFFE0] =	vst v62;
	v41 =	vadd.f32 $4.000000000e+00, v41;
	v38 =	vadd.f32 $4.000000000e+00, v38;
	v47 =	vmul.f32 v47, v5  }
0x12a: {  	v49 =	vld [tilespmem:s1+$0xFFFFFFE0];
	v43 =	vadd.f32 $4.000000000e+00, v43;
	v29 =	vtrunc.f32 v29;
	v15 =	vtrunc.f32 v15  }
0x12b: {  	v48 =	vld [tilespmem:s1+$0xFFFFFFD0];
	v54 =	vsub.f32 v42, v3;
	v36 =	vtrunc.f32 v36;
	v27 =	vtrunc.f32 v27  }
0x12c: {  	v41 =	vtrunc.f32 v41;
	v29 =	vcvt.f32.s32 v29;
	v15 =	vadd.f32 $-4.000000000e+00, v15  }
0x12d: {  	v38 =	vtrunc.f32 v38;
	v36 =	vadd.f32 $-4.000000000e+00, v36;
	v27 =	vadd.f32 $-4.000000000e+00, v27  }
0x12e: {  	v43 =	vtrunc.f32 v43;
	v41 =	vadd.f32 $-4.000000000e+00, v41;
	v62 =	vtrunc.f32 v47  }
0x12f: {  	v50 =	vld [tilespmem:s1+$0xFFFFFFF0];
	v55 =	vmax.f32 v49, v24;
	v44 =	vmul.f32 $2.777777850e-03, v54;
	v29 =	vcvt.s32.f32 v29  }
0x130: {  	v56 =	vadd.f32 $-4.000000000e+00, v38;
	v43 =	vadd.f32 $-4.000000000e+00, v43;
	v54 =	vmax.f32 v48, v24  }
0x131: {  	v52 =	vld [tilespmem:s1+$0x20];
	v15 =	vmul.f32 $3.600000000e+02, v15;
	v36 =	vmul.f32 $3.600000000e+02, v36;
	v29 =	vadd.f32 $-4.000000000e+00, v29  }
0x132: {  	v51 =	vld [tilespmem:s1+$0x0];
	v23 =	vsub.f32 v23, v20;
	v27 =	vmul.f32 $3.600000000e+02, v27;
	v59 =	vmul.f32 $3.600000000e+02, v56  }
0x133: {  	[tilespmem:$0x1FEC0] =	vst v0;
	v0 =	vld [tilespmem:$0x1FFD0];
	v44 =	vadd.f32 $4.000000000e+00, v44;
	v9 =	vmul.f32 $3.600000000e+02, v43;
	v29 =	vmul.f32 $3.600000000e+02, v29  }
0x134: {  	v56 =	vmax.f32 v50, v24;
	v15 =	vsub.f32 v61, v15;
	v61 =	vmul.f32 $3.600000000e+02, v41  }
0x135: {  	v38 =	vld [tilespmem:s1+$0x10];
	v34 =	vsub.f32 v63, v36;
	v63 =	vcvt.f32.s32 v62;
	v29 =	vsub.f32 v37, v29  }
0x136: {  	v6 =	vld [tilespmem:$0x1FFF0];
	v27 =	vsub.f32 v10, v27;
	v62 =	vmax.f32 v52, v24;
	v44 =	vtrunc.f32 v44  }
0x137: {  	v53 =	vld [tilespmem:s1+$0x30];
	v33 =	vsub.f32 v11, v59;
	v36 =	vsub.f32 v46, v9;
	v29 =	vmax.f32 v29, v3  }
0x138: {  	v59 =	vmax.f32 v51, v24;
	v49 =	vmin.f32 v62, v4;
	v29 =	vmin.f32 v29, v0  }
0x139: {  	v44 =	vadd.f32 $-4.000000000e+00, v44;
	vm0 =	vlt.s32 v63, $0xB3;
	v29 =	vsub.f32 v29, v3  }
0x13a: {  	v38 =	vmax.f32 v38, v24;
	v46 =	vmin.f32 v59, v4;
	v15 =	vmax.f32 v15, v3  }
0x13b: {  	v34 =	vmax.f32 v34, v3;
	v27 =	vmax.f32 v27, v3;
	v29 =	vmul.f32 v29, v6  }
0x13c: {  	v49 =	vsub.f32 v49, v24;
	v43 =	vnsel vm0, $0xB3, v63;
	v63 =	vmax.f32 v53, v24  }
0x13d: {  	v38 =	vmin.f32 v38, v4;
	v33 =	vmax.f32 v33, v3;
	v10 =	vtrunc.f32 v29  }
0x13e: {  	v36 =	vmax.f32 v36, v3;
	v15 =	vmin.f32 v15, v0;
	v41 =	vcvt.f32.s32 v10  }
0x13f: {  	v46 =	vsub.f32 v46, v24;
	v34 =	vmin.f32 v34, v0;
	v27 =	vmin.f32 v27, v0  }
0x140: {  	v11 =	vmul.f32 $3.600000000e+02, v44;
	v32 =	vmul.u32 $0x168, v43;
	vm14 =	vlt.s32 v41, $0x166  }
0x141: {  	v37 =	vsub.f32 v45, v61;
	v44 =	vmin.f32 v55, v4;
	v41 =	vnsel vm14, $0x166, v41  }
0x142: {  	v45 =	vmin.f32 v56, v4;
	v50 =	vmin.f32 v63, v4;
	v39 =	vadd.s32 v32, v41  }
0x143: {  	v38 =	vsub.f32 v38, v24;
	v33 =	vmin.f32 v33, v0;
	v61 =	vadd.s32 $0x1, v39  }
0x144: {  	v15 =	vsub.f32 v15, v3;
	v35 =	vsub.f32 v42, v11;
	v9 =	vadd.s32 $0x168, v39  }
0x145: {  	v62 =	vsub.f32 v34, v3;
	v27 =	vsub.f32 v27, v3;
	v10 =	vadd.s32 $0x169, v39  }
0x146: {  	v44 =	vsub.f32 v44, v24;
	v42 =	vmin.f32 v54, v4;
	v35 =	vmax.f32 v35, v3  }
0x147: {  	v45 =	vsub.f32 v45, v24;
	v42 =	vsub.f32 v42, v24;
	v55 =	vmin.f32 v35, v0;
	v53 =	vld.idx.msk [tilespmem:v39+s3+$0x0], $0xffff  }
0x148: {  	v50 =	vsub.f32 v50, v24;
	v8 =	vmul.f32 v44, v5;
	v56 =	vsub.f32 v55, v3;
	v11 =	vld.idx.msk [tilespmem:v61+s3+$0x0], $0xffff  }
0x149: {  	v37 =	vmax.f32 v37, v3;
	v4 =	vmul.f32 v42, v5;
	v42 =	vmul.f32 v27, v6;
	v48 =	vld.idx.msk [tilespmem:v9+s3+$0x0], $0xffff  }
0x14a: {  	v37 =	vmin.f32 v37, v0;
	v18 =	vmul.f32 v56, v6;
	v41 =	vcvt.s32.f32 v41;
	v59 =	vld.idx.msk [tilespmem:v10+s3+$0x0], $0xffff  }
0x14b: {  	v61 =	vmin.f32 v36, v0;
	v36 =	vmul.f32 v45, v5;
	v0 =	vmul.f32 v38, v5  }
0x14c: {  	v38 =	vmul.f32 v50, v5;
	v45 =	vmul.f32 v15, v6;
	v52 =	vsub.f32 v61, v3  }
0x14d: {  	v10 =	vsub.f32 v33, v3;
	v33 =	vtrunc.f32 v42;
	v61 =	vtrunc.f32 v8  }
0x14e: {  	[tilespmem:s14+$0x20] =	vst v16;
	v34 =	vadd.f32 v14, v28;
	v16 =	vtrunc.f32 v45;
	v28 =	vmul.f32 v52, v6  }
0x14f: {  	v16 =	vcvt.f32.s32 v16;
	v39 =	vsub.f32 v11, v53;
	v63 =	vsub.f32 v59, v48  }
0x150: {  	v11 =	vsub.f32 v37, v3;
	v59 =	vcvt.s32.f32 v43;
	v43 =	vmul.f32 v62, v6  }
0x151: {  	v37 =	vadd.f32 v40, v30;
	v62 =	vtrunc.f32 v36;
	v40 =	vcvt.f32.s32 v61  }
0x152: {  	v29 =	vsub.f32 v29, v41;
	v61 =	vtrunc.f32 v28;
	v26 =	vcvt.f32.s32 v62  }
0x153: {  	vm9 =	vlt.s32 v16, $0x166;
	v62 =	vtrunc.f32 v18;
	v51 =	vcvt.f32.s32 v61  }
0x154: {  	v16 =	vnsel vm9, $0x166, v16;
	v35 =	vmul.f32 v29, v39;
	v29 =	vmul.f32 v29, v63  }
0x155: {  	v39 =	vmul.f32 v46, v5;
	v41 =	vsub.f32 v47, v59;
	v44 =	vmul.f32 v11, v6  }
0x156: {  	[tilespmem:$0x1FF10] =	vst v0;
	v63 =	vtrunc.f32 v0;
	v0 =	vsub.f32 v22, v34;
	vm1 =	vlt.s32 v40, $0xB3  }
0x157: {  	[tilespmem:s14+$0x30] =	vst v17;
	v17 =	vtrunc.f32 v43;
	v31 =	vcvt.f32.s32 v63;
	vm2 =	vlt.s32 v26, $0xB3  }
0x158: {  	v17 =	vcvt.f32.s32 v17;
	v53 =	vadd.f32 v35, v53;
	v29 =	vadd.f32 v29, v48  }
0x159: {  	v63 =	vcvt.f32.s32 v33;
	v55 =	vnsel vm1, $0xB3, v40;
	vm14 =	vlt.s32 v51, $0x166  }
0x15a: {  	v35 =	vmul.f32 v49, v5;
	[tilespmem:$0x1FEF0] =	vst v0;
	v0 =	vsub.f32 v1, v37;
	v29 =	vsub.f32 v29, v53  }
0x15b: {  	v59 =	vtrunc.f32 v44;
	v51 =	vnsel vm14, $0x166, v51;
	vm4 =	vlt.s32 v31, $0xB3  }
0x15c: {  	vm10 =	vlt.s32 v17, $0x166;
	v9 =	vtrunc.f32 v35;
	v27 =	vmul.f32 v29, v41  }
0x15d: {  	vm11 =	vlt.s32 v63, $0x166;
	v50 =	vnsel vm4, $0xB3, v31;
	v11 =	vcvt.f32.s32 v9  }
0x15e: {  	v41 =	vmul.f32 v10, v6;
	v29 =	vtrunc.f32 v4;
	v27 =	vadd.f32 v27, v53  }
0x15f: {  	s17 =	sadd.s32 $0x80, s17;
	v31 =	vmul.u32 $0x168, v55;
	v10 =	vtrunc.f32 v38;
	v29 =	vcvt.f32.s32 v29  }
0x160: {  	v17 =	vnsel vm10, $0x166, v17;
	v32 =	vcvt.f32.s32 v10;
	[tilespmem:s17+$0xFFFFFFC0] =	vst v27;
	v27 =	vtrunc.f32 v39  }
0x161: {  	v56 =	vtrunc.f32 v41;
	v53 =	vnsel vm11, $0x166, v63;
	v27 =	vcvt.f32.s32 v27  }
0x162: {  	v63 =	vadd.s32 v31, v17;
	vm15 =	vlt.s32 v29, $0xB3;
	v49 =	vcvt.f32.s32 v56  }
0x163: {  	v56 =	vnsel vm2, $0xB3, v26;
	v54 =	vnsel vm15, $0xB3, v29;
	vm3 =	vlt.s32 v27, $0xB3  }
0x164: {  	v15 =	vmovc v3;
	v3 =	vmovc v58;
	v58 =	vadd.s32 $0x1, v63;
	v52 =	vnsel vm3, $0xB3, v27;
	v27 =	vmul.u32 $0x168, v54  }
0x165: {  	vm6 =	vlt.s32 v32, $0xB3;
	v12 =	vadd.s32 $0x169, v63;
	v40 =	vmul.u32 $0x168, v56  }
0x166: {  	v26 =	vcvt.f32.s32 v62;
	vm12 =	vlt.s32 v49, $0x166;
	v62 =	vadd.s32 v27, v16  }
0x167: {  	v33 =	vmovc v60;
	v60 =	vnsel vm12, $0x166, v49;
	v49 =	vadd.s32 v40, v53;
	v40 =	vadd.s32 $0x1, v62  }
0x168: {  	v29 =	vcvt.f32.s32 v59;
	v47 =	vnsel vm6, $0xB3, v32;
	v32 =	vadd.s32 $0x168, v62  }
0x169: {  	[tilespmem:$0x1FF40] =	vst v0;
	v0 =	vmovc v57;
	vm15 =	vlt.s32 v26, $0x166;
	v59 =	vmul.u32 $0x168, v47;
	v58 =	vld.idx.msk [tilespmem:v58+s3+$0x0], $0xffff;
	v57 =	vadd.s32 $0x169, v62  }
0x16a: {  	vm5 =	vlt.s32 v11, $0xB3;
	v10 =	vmul.u32 $0x168, v50;
	v6 =	vnsel vm15, $0x166, v26;
	v12 =	vld.idx.msk [tilespmem:v12+s3+$0x0], $0xffff  }
0x16b: {  	v48 =	vnsel vm5, $0xB3, v11;
	v27 =	vadd.s32 v59, v6;
	v59 =	vadd.s32 $0x168, v63;
	v62 =	vld.idx.msk [tilespmem:v62+s3+$0x0], $0xffff  }
0x16c: {  	v11 =	vmul.u32 $0x168, v48;
	vm13 =	vlt.s32 v29, $0x166;
	v9 =	vmul.u32 $0x168, v52;
	v40 =	vld.idx.msk [tilespmem:v40+s3+$0x0], $0xffff  }
0x16d: {  	v17 =	vcvt.s32.f32 v17;
	v53 =	vcvt.s32.f32 v53;
	v61 =	vnsel vm13, $0x166, v29;
	v46 =	vld.idx.msk [tilespmem:v32+s3+$0x0], $0xffff  }
0x16e: {  	v29 =	vadd.s32 v11, v51;
	v16 =	vcvt.s32.f32 v16;
	v31 =	vadd.s32 v9, v60;
	v57 =	vld.idx.msk [tilespmem:v57+s3+$0x0], $0xffff  }
0x16f: {  	[tilespmem:$0x1FEE0] =	vst v4;
	v13 =	vadd.s32 $0x1, v49;
	v26 =	vadd.s32 v10, v61;
	v63 =	vld.idx.msk [tilespmem:v63+s3+$0x0], $0xffff;
	v4 =	vadd.s32 $0x1, v31  }
0x170: {  	v16 =	vsub.f32 v45, v16;
	v45 =	vcvt.s32.f32 v60;
	v60 =	vcvt.s32.f32 v61;
	v59 =	vld.idx.msk [tilespmem:v59+s3+$0x0], $0xffff  }
0x171: {  	v61 =	vsub.f32 v43, v17;
	v17 =	vcvt.s32.f32 v51;
	v51 =	vsub.f32 v40, v62  }
0x172: {  	v40 =	vsub.f32 v42, v53;
	v42 =	vsub.f32 v41, v45  }
0x173: {  	v41 =	vsub.f32 v44, v60;
	v60 =	vsub.f32 v57, v46  }
0x174: {  	v6 =	vcvt.s32.f32 v6;
	v43 =	vld.idx.msk [tilespmem:v13+s3+$0x0], $0xffff;
	v57 =	vsub.f32 v28, v17;
	v17 =	vsub.f32 v58, v63  }
0x175: {  	v14 =	vadd.s32 $0x168, v29;
	v13 =	vmul.f32 v0, v23;
	v0 =	vld [tilespmem:$0x1FEB0];
	v12 =	vsub.f32 v12, v59  }
0x176: {  	v44 =	vld.idx.msk [tilespmem:v4+s3+$0x0], $0xffff;
	v58 =	vsub.f32 v18, v6;
	v4 =	vmul.f32 v16, v60;
	v6 =	vmul.f32 v61, v17  }
0x177: {  	v2 =	vsub.f32 v2, v7;
	v25 =	vsub.f32 v25, v21;
	v1 =	vadd.s32 $0x168, v49  }
0x178: {  	v4 =	vadd.f32 v4, v46;
	v46 =	vadd.f32 v6, v63;
	v6 =	vmul.f32 v61, v12  }
0x179: {  	v23 =	vmul.f32 v3, v25;
	v25 =	vmul.f32 v16, v51;
	v16 =	vadd.f32 v13, v20  }
0x17a: {  	[tilespmem:$0x1FED0] =	vst v2;
	v2 =	vadd.s32 $0x169, v49;
	v6 =	vadd.f32 v6, v59;
	v59 =	vcvt.s32.f32 v47;
	v47 =	vld.idx.msk [tilespmem:v14+s3+$0x0], $0xffff  }
0x17b: {  	v14 =	vsub.f32 v0, v16;
	v0 =	vld [tilespmem:$0x1FEC0];
	_ =	sdelay $0x2  }
0x17c: {  	v1 =	vld.idx.msk [tilespmem:v1+s3+$0x0], $0xffff;
	v17 =	vadd.f32 v23, v21  }
0x17d: {  	v2 =	vld.idx.msk [tilespmem:v2+s3+$0x0], $0xffff  }
0x17e: {  	v20 =	vcvt.s32.f32 v56;
	v56 =	vcvt.s32.f32 v52;
	v52 =	vsub.f32 v0, v17;
	v0 =	vld [tilespmem:$0x1FED0];
	_ =	sdelay $0x4  }
0x17f: {  	v2 =	vsub.f32 v2, v1;
	v12 =	vcvt.s32.f32 v48;
	v48 =	vmul.f32 v0, v33;
	v0 =	vld [tilespmem:$0x1FEE0];
	_ =	sdelay $0x1  }
0x180: {  	v2 =	vmul.f32 v40, v2  }
0x181: {  	v28 =	vcvt.s32.f32 v54  }
0x182: {  	[tilespmem:$0x1FF20] =	vst v7;
	v7 =	vadd.s32 $0x168, v26;
	v2 =	vadd.f32 v2, v1;
	v1 =	vld [tilespmem:$0x1FEF0]  }
0x183: {  	v18 =	vsub.f32 v0, v28;
	v0 =	vld [tilespmem:$0x1FF80];
	_ =	sdelay $0x3  }
0x184: {  	[tilespmem:$0x1FF00] =	vst v8;
	v51 =	vld.idx.msk [tilespmem:v7+s3+$0x0], $0xffff  }
0x185: {  	v7 =	vcvt.s32.f32 v50;
	v50 =	vmul.f32 v1, v0;
	v0 =	vld [tilespmem:$0x1FF00]  }
0x186: {  	v8 =	vadd.s32 $0x169, v26;
	_ =	sdelay $0x1  }
0x187: {  	v5 =	vadd.s32 $0x168, v31;
	v13 =	vcvt.s32.f32 v55  }
0x188: {  	v10 =	vadd.s32 $0x169, v31  }
0x189: {  	v32 =	vadd.s32 $0x169, v29;
	v1 =	vsub.f32 v0, v13;
	v0 =	vsub.f32 v39, v56  }
0x18a: {  	v8 =	vld.idx.msk [tilespmem:v8+s3+$0x0], $0xffff  }
0x18b: {  	[tilespmem:$0x1FF80] =	vst v0;
	v0 =	vld [tilespmem:$0x1FF10]  }
0x18c: {  	v11 =	vadd.s32 $0x1, v26;
	v5 =	vld.idx.msk [tilespmem:v5+s3+$0x0], $0xffff  }
0x18d: {  	v9 =	vadd.s32 $0x1, v29;
	v10 =	vld.idx.msk [tilespmem:v10+s3+$0x0], $0xffff;
	v6 =	vsub.f32 v6, v46  }
0x18e: {  	v19 =	vadd.s32 $0x1, v27;
	v32 =	vld.idx.msk [tilespmem:v32+s3+$0x0], $0xffff  }
0x18f: {  	v22 =	vadd.s32 $0x168, v27;
	v54 =	vmul.f32 v6, v1;
	v1 =	vld [tilespmem:$0x1FF40]  }
0x190: {  	v33 =	vsub.f32 v0, v7;
	v0 =	vld [tilespmem:$0x1FF30]  }
0x191: {  	v21 =	vld.idx.msk [tilespmem:v11+s3+$0x0], $0xffff  }
0x192: {  	v23 =	vld.idx.msk [tilespmem:v9+s3+$0x0], $0xffff  }
0x193: {  	v30 =	vadd.s32 $0x169, v27;
	v45 =	vadd.f32 v25, v62;
	v25 =	vld.idx.msk [tilespmem:v19+s3+$0x0], $0xffff  }
0x194: {  	s6 =	sadd.s32 $0x80, s6;
	v10 =	vsub.f32 v10, v5;
	v19 =	vld.idx.msk [tilespmem:v22+s3+$0x0], $0xffff  }
0x195: {  	p0 =	slt.u32 s6, $0x1880;
	v60 =	vsub.f32 v36, v20;
	v4 =	vsub.f32 v4, v45;
	v36 =	vmul.f32 v1, v0;
	v0 =	vld [tilespmem:$0x1FF50]  }
.Ltmp0:
0x196: {  	v10 =	vmul.f32 v42, v10;
	v20 =	vld.idx.msk [tilespmem:v49+s3+$0x0], $0xffff;
	(pc) =	sbr.rel @p0 .LBB2_3-.Ltmp0, $4  }
0x197: {  	v28 =	vld.idx.msk [tilespmem:v31+s3+$0x0], $0xffff;
	v53 =	vmul.f32 v4, v18;
	v4 =	vsub.f32 v8, v51  }
0x198: {  	v22 =	vadd.f32 v10, v5;
	v39 =	vld.idx.msk [tilespmem:v30+s3+$0x0], $0xffff  }
0x199: {  	v3 =	vmovc v15;
	v18 =	vsub.f32 v38, v59;
	v31 =	vmul.f32 v41, v4;
	v13 =	vmov v34;
	v30 =	vld.idx.msk [tilespmem:v26+s3+$0x0], $0xffff  }
0x19a: {  	s7 =	sadd.s32 $0x80, s7;
	s14 =	smov.u32 s15;
	s15 =	smov.u32 s17;
	v34 =	vsub.f32 v35, v12;
	v35 =	vsub.f32 v32, v47;
	v7 =	vld [tilespmem:$0x1FF20];
	v26 =	vmul.f32 v14, v0;
	v14 =	vmovc v37  }
0x19b: {  	_ =	sdelay $0x2  }
0x19c: {  	v49 =	vld [tilespmem:$0x1FFF0]  }
0x19d: {  	v0 =	vadd.f32 v53, v45;
	v1 =	vadd.f32 v31, v51;
	v6 =	vld.idx.msk [tilespmem:v29+s3+$0x0], $0xffff  }
0x19e: {  	v4 =	vadd.f32 v54, v46;
	v9 =	vsub.f32 v43, v20;
	v10 =	vld.idx.msk [tilespmem:v27+s3+$0x0], $0xffff  }
0x19f: {  	v38 =	vld [tilespmem:$0x1FFD0];
	v11 =	vadd.f32 v50, v13;
	v8 =	vsub.f32 v39, v19  }
0x1a0: {  	v37 =	vld [tilespmem:$0x1FFE0];
	v14 =	vadd.f32 v36, v14;
	v9 =	vmul.f32 v40, v9;
	v13 =	vsub.f32 v21, v30  }
0x1a1: {  	v32 =	vld [tilespmem:$0x1FFC0];
	v12 =	vsub.f32 v44, v28;
	[tilespmem:s17+$0xFFFFFFD0] =	vst v0;
	v5 =	vadd.f32 v48, v7;
	v8 =	vmul.f32 v58, v8  }
0x1a2: {  	[tilespmem:s17+$0xFFFFFFE0] =	vst v4;
	v9 =	vadd.f32 v9, v20;
	v13 =	vmul.f32 v41, v13;
	v15 =	vsub.f32 v23, v6  }
0x1a3: {  	v12 =	vmul.f32 v42, v12;
	v20 =	vsub.f32 v25, v10;
	v0 =	vadd.f32 v8, v19;
	v19 =	vld [tilespmem:$0x1FF60]  }
0x1a4: {  	v7 =	vmul.f32 v57, v35;
	[tilespmem:s14+$0xFFFFFFF0] =	vst v5;
	v8 =	vadd.f32 v13, v30;
	v13 =	vmul.f32 v57, v15  }
0x1a5: {  	v12 =	vadd.f32 v12, v28;
	v2 =	vsub.f32 v2, v9;
	[tilespmem:s14+$0x0] =	vst v11;
	v15 =	vmul.f32 v58, v20  }
0x1a6: {  	v7 =	vadd.f32 v7, v47;
	[tilespmem:s14+$0x10] =	vst v14;
	v5 =	vadd.f32 v13, v6  }
0x1a7: {  	v2 =	vmul.f32 v2, v60;
	v1 =	vsub.f32 v1, v8;
	v10 =	vadd.f32 v15, v10;
	v13 =	vld [tilespmem:$0x1FF80]  }
0x1a8: {  	v6 =	vadd.f32 v26, v16;
	v19 =	vmul.f32 v52, v19;
	v7 =	vsub.f32 v7, v5  }
0x1a9: {  	v2 =	vadd.f32 v2, v9;
	v0 =	vsub.f32 v0, v10;
	v1 =	vmul.f32 v1, v33  }
0x1aa: {  	v4 =	vsub.f32 v22, v12;
	[tilespmem:s14+$0x20] =	vst v6;
	v11 =	vadd.f32 v19, v17;
	v6 =	vmul.f32 v7, v34  }
0x1ab: {  	[tilespmem:s15+$0xFFFFFFF0] =	vst v2;
	v0 =	vmul.f32 v0, v18;
	v1 =	vadd.f32 v1, v8  }
0x1ac: {  	v4 =	vmul.f32 v4, v13;
	[tilespmem:s14+$0x30] =	vst v11;
	v2 =	vadd.f32 v6, v5  }
0x1ad: {  	[tilespmem:s15+$0x10] =	vst v1;
	v0 =	vadd.f32 v0, v10  }
0x1ae: {  	s1 =	sadd.s32 s5, s0;
	v4 =	vadd.f32 v4, v12;
	[tilespmem:s15+$0x20] =	vst v2  }
0x1af: {  	s1 =	sshrl.u32 s1, $0x3;
	[tilespmem:s15+$0x30] =	vst v0  }
0x1b0: {  	s1 =	sadd.s32 s8, s1;
	[tilespmem:s15+$0x0] =	vst v4  }
0x1b1: {  	[hbm4b:s1+s3] =	stream.linear.scatter [tilespmem:s22], [sflag:$0x5], $0x1900, $0x38;
	[tilespmem:$0x19580] =	vst v63  }
0x1b2: {  	_ =	swait.ge [sflag:s23], $0x1900  }
0x1b3: {  	[sflag:s23] =	ssyncset.done $0x0  }
0x1b4: {  	p0 =	seq.s32 s30, $0x7;
	[sflag:s23] =	ssyncadd.s32 $0xFFFFE700  }
0x1b5: {  	s0 =	sadd.s32 @!p0 s0, s12;
	_ =	swait.ge [sflag:s24], $0x1900  }
0x1b6: {  	s6 =	simm.s32 @!p0 $0x0;
	s0 =	sshrl.u32 @!p0 s0, $0x3;
	[sflag:s24] =	ssyncset.done $0x0  }
0x1b7: {  	s7 =	simm.s32 @!p0 $0xFF80;
	s1 =	sadd.s32 @!p0 s2, s0;
	[sflag:s24] =	ssyncadd.s32 $0xFFFFE700  }
0x1b8: {  	[tilespmem:s7], [sflag:$0x1] =	stream.linear.gather @!p0 [hbm4b:s1+s6], $0x1900, $0x38;
	[tilespmem:$0x19580] =	vst v63  }
0x1b9: {  	p1 =	seq.s32 @!p0 s30, $0x0;
	s0 =	sadd.s32 @!p0 s4, s0;
	s1 =	simm.s32 @!p0 $0x13180  }
0x1ba: {  	[tilespmem:s1], [sflag:$0x3] =	stream.linear.gather @!p0 [hbm4b:s0+s6], $0x1900, $0x38;
	[tilespmem:$0x19580] =	vst v63  }
0x1bb: {  	p0 =	por p0, !p1  }
0x1bc: {  	_ =	swait.ge @p0 [sflag:s28], $0x1900  }
0x1bd: {  	[sflag:s28] =	ssyncset.done @p0 $0x0  }
0x1be: {  	s14 =	simm.s32 $0x14AC0;
	[sflag:s28] =	ssyncadd.s32 @p0 $0xFFFFE700  }
0x1bf: {  	v0 =	vld [tilespmem:s14+$0xFFFFFFC0]  }
0x1c0: {  	v1 =	vld [tilespmem:s14+$0xFFFFFFD0]  }
0x1c1: {  	v2 =	vld [tilespmem:s14+$0xFFFFFFE0]  }
0x1c2: {  	v4 =	vld [tilespmem:s14+$0xFFFFFFF0]  }
0x1c3: {  	v5 =	vld [tilespmem:s14+$0x0]  }
0x1c4: {  	v7 =	vld [tilespmem:s14+$0x10]  }
0x1c5: {  	v9 =	vld [tilespmem:s14+$0x20]  }
0x1c6: {  	v11 =	vld [tilespmem:s14+$0x30]  }
0x1c7: {  	v6 =	vsub.f32 v0, v3;
	v8 =	vsub.f32 v1, v3  }
0x1c8: {  	v10 =	vsub.f32 v2, v3;
	v12 =	vsub.f32 v4, v3  }
0x1c9: {  	v13 =	vsub.f32 v5, v3;
	v14 =	vsub.f32 v7, v3;
	v6 =	vmul.f32 $2.777777850e-03, v6  }
0x1ca: {  	v15 =	vsub.f32 v9, v3;
	v8 =	vmul.f32 $2.777777850e-03, v8;
	v10 =	vmul.f32 $2.777777850e-03, v10  }
0x1cb: {  	v16 =	vsub.f32 v11, v3;
	v12 =	vmul.f32 $2.777777850e-03, v12;
	v13 =	vmul.f32 $2.777777850e-03, v13  }
0x1cc: {  	v14 =	vmul.f32 $2.777777850e-03, v14;
	v15 =	vmul.f32 $2.777777850e-03, v15;
	v6 =	vadd.f32 $4.000000000e+00, v6  }
0x1cd: {  	v16 =	vmul.f32 $2.777777850e-03, v16;
	v8 =	vadd.f32 $4.000000000e+00, v8;
	v10 =	vadd.f32 $4.000000000e+00, v10  }
0x1ce: {  	v12 =	vadd.f32 $4.000000000e+00, v12;
	v13 =	vadd.f32 $4.000000000e+00, v13;
	v6 =	vtrunc.f32 v6  }
0x1cf: {  	v14 =	vadd.f32 $4.000000000e+00, v14;
	v8 =	vtrunc.f32 v8;
	v10 =	vtrunc.f32 v10  }
0x1d0: {  	s15 =	simm.s32 $0x118C0;
	v63 =	vld [tilespmem:$0x1FFB0];
	v15 =	vadd.f32 $4.000000000e+00, v15;
	v12 =	vtrunc.f32 v12;
	v13 =	vtrunc.f32 v13  }
0x1d1: {  	v17 =	vld [tilespmem:s15+$0xFFFFFFC0];
	v16 =	vadd.f32 $4.000000000e+00, v16;
	v14 =	vtrunc.f32 v14;
	v6 =	vcvt.f32.s32 v6  }
0x1d2: {  	v18 =	vld [tilespmem:s15+$0xFFFFFFE0];
	v15 =	vtrunc.f32 v15;
	v8 =	vadd.f32 $-4.000000000e+00, v8;
	v10 =	vadd.f32 $-4.000000000e+00, v10  }
0x1d3: {  	v20 =	vld [tilespmem:s15+$0x0];
	v12 =	vadd.f32 $-4.000000000e+00, v12;
	v13 =	vadd.f32 $-4.000000000e+00, v13;
	v6 =	vcvt.s32.f32 v6  }
0x1d4: {  	v21 =	vld [tilespmem:s15+$0x20];
	v14 =	vadd.f32 $-4.000000000e+00, v14;
	v8 =	vmul.f32 $3.600000000e+02, v8;
	v10 =	vmul.f32 $3.600000000e+02, v10  }
0x1d5: {  	v15 =	vadd.f32 $-4.000000000e+00, v15;
	v12 =	vmul.f32 $3.600000000e+02, v12;
	v13 =	vmul.f32 $3.600000000e+02, v13  }
0x1d6: {  	v14 =	vmul.f32 $3.600000000e+02, v14;
	v6 =	vadd.f32 $-4.000000000e+00, v6;
	v1 =	vsub.f32 v1, v8  }
0x1d7: {  	v17 =	vmax.f32 v17, v63;
	v2 =	vsub.f32 v2, v10;
	v4 =	vsub.f32 v4, v12  }
0x1d8: {  	v12 =	vmul.f32 $3.600000000e+02, v15;
	v5 =	vsub.f32 v5, v13;
	v7 =	vsub.f32 v7, v14  }
0x1d9: {  	v14 =	vmax.f32 v18, v63;
	v18 =	vmax.f32 v20, v63;
	v20 =	vmax.f32 v21, v63  }
0x1da: {  	v14 =	vmin.f32 v14, v32;
	v18 =	vmin.f32 v18, v32;
	v6 =	vmul.f32 $3.600000000e+02, v6  }
0x1db: {  	v20 =	vmin.f32 v20, v32;
	v9 =	vsub.f32 v9, v12;
	v1 =	vmax.f32 v1, v3  }
0x1dc: {  	v2 =	vmax.f32 v2, v3;
	v4 =	vmax.f32 v4, v3;
	v0 =	vsub.f32 v0, v6  }
0x1dd: {  	v5 =	vmax.f32 v5, v3;
	v6 =	vtrunc.f32 v16;
	v16 =	vmin.f32 v17, v32  }
0x1de: {  	v7 =	vmax.f32 v7, v3;
	v16 =	vsub.f32 v16, v63;
	v0 =	vmax.f32 v0, v3  }
0x1df: {  	v14 =	vsub.f32 v14, v63;
	v18 =	vsub.f32 v18, v63;
	v0 =	vmin.f32 v0, v38  }
0x1e0: {  	v1 =	vmin.f32 v1, v38;
	v16 =	vmul.f32 v16, v37;
	v0 =	vsub.f32 v0, v3  }
0x1e1: {  	v2 =	vmin.f32 v2, v38;
	v4 =	vmin.f32 v4, v38;
	v5 =	vmin.f32 v5, v38  }
0x1e2: {  	v7 =	vmin.f32 v7, v38;
	v8 =	vtrunc.f32 v16;
	v0 =	vmul.f32 v0, v49  }
0x1e3: {  	v10 =	vld [tilespmem:s15+$0x10];
	v9 =	vmax.f32 v9, v3;
	v1 =	vsub.f32 v1, v3;
	v8 =	vcvt.f32.s32 v8  }
0x1e4: {  	v19 =	vld [tilespmem:s15+$0xFFFFFFF0];
	v2 =	vsub.f32 v2, v3;
	v4 =	vsub.f32 v4, v3;
	v15 =	vtrunc.f32 v0  }
0x1e5: {  	v17 =	vld [tilespmem:s15+$0xFFFFFFD0];
	v6 =	vadd.f32 $-4.000000000e+00, v6;
	vm0 =	vlt.s32 v8, $0xB3;
	v13 =	vcvt.f32.s32 v15  }
0x1e6: {  	v5 =	vsub.f32 v5, v3;
	v7 =	vsub.f32 v7, v3;
	v8 =	vnsel vm0, $0xB3, v8  }
0x1e7: {  	v6 =	vmul.f32 $3.600000000e+02, v6;
	v12 =	vmul.u32 $0x168, v8;
	vm14 =	vlt.s32 v13, $0x166  }
0x1e8: {  	v10 =	vmax.f32 v10, v63;
	v9 =	vmin.f32 v9, v38;
	v13 =	vnsel vm14, $0x166, v13  }
0x1e9: {  	v10 =	vmin.f32 v10, v32;
	v6 =	vsub.f32 v11, v6;
	v12 =	vadd.s32 v12, v13  }
0x1ea: {  	v11 =	vmax.f32 v17, v63;
	v17 =	vmax.f32 v19, v63;
	v19 =	vadd.s32 $0x1, v12  }
0x1eb: {  	v1 =	vmul.f32 v1, v49;
	v9 =	vsub.f32 v9, v3;
	v21 =	vadd.s32 $0x168, v12  }
0x1ec: {  	v4 =	vmul.f32 v4, v49;
	v5 =	vmul.f32 v5, v49;
	v22 =	vadd.s32 $0x169, v12  }
0x1ed: {  	v2 =	vmul.f32 v2, v49;
	v9 =	vmul.f32 v9, v49;
	v11 =	vmin.f32 v11, v32;
	v15 =	vld [tilespmem:s15+$0x30]  }
0x1ee: {  	v25 =	vtrunc.f32 v4;
	v26 =	vtrunc.f32 v5;
	v11 =	vsub.f32 v11, v63;
	v12 =	vld.idx.msk [tilespmem:v12+s3+$0x0], $0xffff  }
0x1ef: {  	v25 =	vcvt.f32.s32 v25;
	v26 =	vcvt.f32.s32 v26;
	v17 =	vmin.f32 v17, v32;
	v19 =	vld.idx.msk [tilespmem:v19+s3+$0x0], $0xffff  }
0x1f0: {  	v23 =	vsub.f32 v17, v63;
	v17 =	vmul.f32 v11, v37;
	v8 =	vcvt.s32.f32 v8;
	v21 =	vld.idx.msk [tilespmem:v21+s3+$0x0], $0xffff  }
0x1f1: {  	v28 =	vtrunc.f32 v9;
	v6 =	vmax.f32 v6, v3;
	v11 =	vmul.f32 v14, v37;
	v22 =	vld.idx.msk [tilespmem:v22+s3+$0x0], $0xffff  }
0x1f2: {  	v8 =	vsub.f32 v16, v8;
	v16 =	vmul.f32 v7, v49;
	v7 =	vtrunc.f32 v17  }
0x1f3: {  	v13 =	vcvt.s32.f32 v13;
	v7 =	vcvt.f32.s32 v7;
	v15 =	vmax.f32 v15, v63  }
0x1f4: {  	v14 =	vmin.f32 v6, v38;
	v27 =	vtrunc.f32 v16;
	v15 =	vmin.f32 v15, v32  }
0x1f5: {  	v0 =	vsub.f32 v0, v13;
	vm15 =	vlt.s32 v7, $0xB3;
	v13 =	vsub.f32 v19, v12  }
0x1f6: {  	v30 =	vnsel vm15, $0xB3, v7;
	v7 =	vcvt.f32.s32 v27;
	v19 =	vsub.f32 v22, v21  }
0x1f7: {  	v15 =	vsub.f32 v15, v63;
	v27 =	vcvt.f32.s32 v28;
	v6 =	vmul.f32 v0, v13  }
0x1f8: {  	v10 =	vsub.f32 v10, v63;
	v0 =	vmul.f32 v0, v19;
	v19 =	vmul.f32 v23, v37  }
0x1f9: {  	v20 =	vsub.f32 v20, v63;
	v13 =	vmul.f32 v18, v37;
	v18 =	vmul.f32 v15, v37  }
0x1fa: {  	v22 =	vadd.f32 v6, v12;
	v0 =	vadd.f32 v0, v21;
	v12 =	vmul.f32 v10, v37  }
0x1fb: {  	v6 =	vmul.f32 v20, v37;
	v10 =	vtrunc.f32 v11  }
0x1fc: {  	v15 =	vtrunc.f32 v13;
	v23 =	vtrunc.f32 v18;
	v0 =	vsub.f32 v0, v22  }
0x1fd: {  	v24 =	vcvt.f32.s32 v10;
	v20 =	vtrunc.f32 v12  }
0x1fe: {  	v0 =	vmul.f32 v0, v8;
	v8 =	vsub.f32 v14, v3;
	v14 =	vtrunc.f32 v19  }
0x1ff: {  	vm11 =	vlt.s32 v25, $0x166;
	v21 =	vtrunc.f32 v6;
	v14 =	vcvt.f32.s32 v14  }
0x200: {  	v8 =	vmul.f32 v8, v49;
	v10 =	vadd.f32 v0, v22;
	v0 =	vcvt.f32.s32 v15  }
0x201: {  	vm12 =	vlt.s32 v26, $0x166;
	v15 =	vcvt.f32.s32 v20;
	v20 =	vcvt.f32.s32 v21  }
0x202: {  	vm1 =	vlt.s32 v24, $0xB3;
	v21 =	vtrunc.f32 v1;
	v22 =	vcvt.f32.s32 v23  }
0x203: {  	v24 =	vnsel vm1, $0xB3, v24;
	v23 =	vtrunc.f32 v2;
	v21 =	vcvt.f32.s32 v21  }
0x204: {  	vm2 =	vlt.s32 v14, $0xB3;
	v23 =	vcvt.f32.s32 v23;
	v29 =	vtrunc.f32 v8  }
0x205: {  	vm4 =	vlt.s32 v15, $0xB3;
	v28 =	vnsel vm2, $0xB3, v14;
	v14 =	vcvt.f32.s32 v29  }
0x206: {  	v29 =	vnsel vm4, $0xB3, v15;
	vm9 =	vlt.s32 v21, $0x166;
	v15 =	vmul.u32 $0x168, v30  }
0x207: {  	v31 =	vmul.u32 $0x168, v24;
	vm10 =	vlt.s32 v23, $0x166;
	v21 =	vnsel vm9, $0x166, v21  }
0x208: {  	v25 =	vnsel vm11, $0x166, v25;
	v23 =	vnsel vm10, $0x166, v23;
	v15 =	vadd.s32 v15, v21  }
0x209: {  	v26 =	vnsel vm12, $0x166, v26;
	vm13 =	vlt.s32 v7, $0x166;
	v31 =	vadd.s32 v31, v23  }
0x20a: {  	vm14 =	vlt.s32 v27, $0x166;
	v42 =	vnsel vm13, $0x166, v7;
	v48 =	vadd.s32 $0x1, v15  }
0x20b: {  	v27 =	vnsel vm14, $0x166, v27;
	v62 =	vmul.u32 $0x168, v28;
	v51 =	vadd.s32 $0x168, v15  }
0x20c: {  	v24 =	vcvt.s32.f32 v24;
	vm3 =	vlt.s32 v0, $0xB3;
	v54 =	vadd.s32 $0x169, v15  }
0x20d: {  	v56 =	vmovc v32;
	v0 =	vnsel vm3, $0xB3, v0;
	v32 =	vadd.s32 v62, v25;
	v55 =	vadd.s32 $0x1, v31;
	v41 =	vld.idx.msk [tilespmem:v15+s3+$0x0], $0xffff  }
0x20e: {  	v59 =	vmovc v49;
	vm5 =	vlt.s32 v20, $0xB3;
	v49 =	vmul.u32 $0x168, v0;
	v45 =	vadd.s32 $0x1, v32;
	v43 =	vld.idx.msk [tilespmem:v31+s3+$0x0], $0xffff  }
0x20f: {  	vm6 =	vlt.s32 v22, $0xB3;
	v20 =	vnsel vm5, $0xB3, v20;
	v60 =	vadd.s32 $0x168, v32;
	v33 =	vld.idx.msk [tilespmem:v48+s3+$0x0], $0xffff  }
0x210: {  	v50 =	vmul.u32 $0x168, v29;
	v34 =	vadd.s32 v49, v26;
	v39 =	vadd.s32 $0x169, v32;
	v36 =	vld.idx.msk [tilespmem:v51+s3+$0x0], $0xffff  }
0x211: {  	v57 =	vmovc v38;
	v22 =	vnsel vm6, $0xB3, v22;
	v30 =	vcvt.s32.f32 v30;
	v46 =	vadd.s32 $0x1, v34;
	v38 =	vld.idx.msk [tilespmem:v54+s3+$0x0], $0xffff  }
0x212: {  	v21 =	vcvt.s32.f32 v21;
	v35 =	vadd.s32 v50, v42;
	v61 =	vadd.s32 $0x168, v34;
	v40 =	vld.idx.msk [tilespmem:v55+s3+$0x0], $0xffff  }
0x213: {  	v52 =	vmul.u32 $0x168, v20;
	v23 =	vcvt.s32.f32 v23;
	v50 =	vadd.s32 $0x168, v35;
	v45 =	vld.idx.msk [tilespmem:v45+s3+$0x0], $0xffff  }
0x214: {  	v53 =	vmul.u32 $0x168, v22;
	v20 =	vcvt.s32.f32 v20;
	v1 =	vsub.f32 v1, v21;
	v21 =	vld.idx.msk [tilespmem:v60+s3+$0x0], $0xffff  }
0x215: {  	vm15 =	vlt.s32 v14, $0x166;
	v25 =	vcvt.s32.f32 v25;
	v2 =	vsub.f32 v2, v23;
	v23 =	vld.idx.msk [tilespmem:v39+s3+$0x0], $0xffff  }
0x216: {  	v44 =	vnsel vm15, $0x166, v14;
	v15 =	vadd.s32 $0x168, v31;
	v60 =	vcvt.s32.f32 v42;
	v39 =	vld.idx.msk [tilespmem:v46+s3+$0x0], $0xffff  }
0x217: {  	v14 =	vadd.s32 v52, v27;
	v7 =	vadd.s32 v53, v44;
	v31 =	vadd.s32 $0x169, v31;
	v61 =	vld.idx.msk [tilespmem:v61+s3+$0x0], $0xffff  }
0x218: {  	v58 =	vmovc v37;
	v62 =	vadd.s32 $0x169, v34;
	v37 =	vsub.f32 v16, v60;
	v16 =	vcvt.s32.f32 v44;
	v44 =	vld.idx.msk [tilespmem:v50+s3+$0x0], $0xffff  }
0x219: {  	s17 =	simm.s32 $0x14B40;
	v30 =	vsub.f32 v17, v30;
	v53 =	vadd.s32 $0x168, v14;
	v50 =	vsub.f32 v11, v24;
	v24 =	vld.idx.msk [tilespmem:v34+s3+$0x0], $0xffff  }
0x21a: {  	v26 =	vcvt.s32.f32 v26;
	v27 =	vcvt.s32.f32 v27;
	v49 =	vadd.s32 $0x1, v35;
	v34 =	vld [tilespmem:s17+$0x20]  }
0x21b: {  	v6 =	vsub.f32 v6, v20;
	v4 =	vsub.f32 v4, v25;
	v54 =	vadd.s32 $0x169, v14;
	v51 =	vld.idx.msk [tilespmem:v15+s3+$0x0], $0xffff  }
0x21c: {  	v25 =	vadd.s32 $0x169, v7;
	v5 =	vsub.f32 v5, v26;
	v9 =	vsub.f32 v9, v27;
	v31 =	vld.idx.msk [tilespmem:v31+s3+$0x0], $0xffff  }
0x21d: {  	v28 =	vcvt.s32.f32 v28;
	v27 =	vld.idx.msk [tilespmem:v62+s3+$0x0], $0xffff;
	v8 =	vsub.f32 v8, v16;
	v33 =	vsub.f32 v33, v41  }
0x21e: {  	v55 =	vadd.s32 $0x168, v7;
	v16 =	vld.idx.msk [tilespmem:v53+s3+$0x0], $0xffff;
	v26 =	vsub.f32 v38, v36;
	v62 =	vsub.f32 v40, v43  }
0x21f: {  	v52 =	vadd.s32 $0x169, v35;
	v40 =	vld.idx.msk [tilespmem:v49+s3+$0x0], $0xffff;
	v23 =	vsub.f32 v23, v21;
	v33 =	vmul.f32 v1, v33  }
0x220: {  	v48 =	vld.idx.msk [tilespmem:v54+s3+$0x0], $0xffff;
	v1 =	vmul.f32 v1, v26;
	v26 =	vmul.f32 v2, v62;
	v53 =	vsub.f32 v34, v3  }
0x221: {  	v0 =	vcvt.s32.f32 v0;
	v49 =	vld.idx.msk [tilespmem:v25+s3+$0x0], $0xffff;
	v31 =	vsub.f32 v31, v51;
	v33 =	vadd.f32 v33, v41  }
0x222: {  	v25 =	vld.idx.msk [tilespmem:v35+s3+$0x0], $0xffff;
	v1 =	vadd.f32 v1, v36;
	v38 =	vadd.f32 v26, v43;
	v26 =	vmul.f32 v4, v23  }
0x223: {  	v11 =	vsub.f32 v13, v0;
	v27 =	vsub.f32 v27, v61;
	v23 =	vld.idx.msk [tilespmem:v55+s3+$0x0], $0xffff;
	v42 =	vmul.f32 $2.777777850e-03, v53  }
0x224: {  	s0 =	simm.s32 $0x11940;
	v2 =	vmul.f32 v2, v31;
	v31 =	vld.idx.msk [tilespmem:v52+s3+$0x0], $0xffff;
	v1 =	vsub.f32 v1, v33;
	v17 =	vadd.f32 v26, v21  }
0x225: {  	v55 =	vld [tilespmem:s0+$0xFFFFFFC0];
	v21 =	vsub.f32 v19, v28;
	v19 =	vmul.f32 v5, v27;
	v27 =	vcvt.s32.f32 v22  }
0x226: {  	v29 =	vcvt.s32.f32 v29;
	v26 =	vld.idx.msk [tilespmem:v32+s3+$0x0], $0xffff;
	v42 =	vadd.f32 $4.000000000e+00, v42;
	v2 =	vadd.f32 v2, v51  }
0x227: {  	v32 =	vld [tilespmem:s17+$0x0];
	v1 =	vmul.f32 v1, v30;
	v13 =	vadd.f32 v19, v61;
	v22 =	vsub.f32 v18, v27  }
0x228: {  	v15 =	vadd.s32 $0x1, v14;
	v27 =	vsub.f32 v48, v16;
	v61 =	vld [tilespmem:s0+$0xFFFFFFD0];
	v2 =	vsub.f32 v2, v38  }
0x229: {  	v42 =	vtrunc.f32 v42;
	v20 =	vadd.f32 v1, v33;
	v1 =	vld [tilespmem:s17+$0xFFFFFFE0];
	v0 =	vsub.f32 v31, v44  }
0x22a: {  	v62 =	vsub.f32 v12, v29;
	v42 =	vadd.f32 $-4.000000000e+00, v42;
	v33 =	vld [tilespmem:s17+$0x10];
	v2 =	vmul.f32 v2, v50  }
0x22b: {  	v30 =	vld [tilespmem:s17+$0xFFFFFFD0];
	v35 =	vmul.f32 v9, v27;
	v27 =	vsub.f32 v39, v24;
	v0 =	vmul.f32 v37, v0  }
0x22c: {  	v36 =	vadd.s32 $0x1, v7;
	v28 =	vld [tilespmem:s17+$0xFFFFFFC0];
	v51 =	vsub.f32 v32, v3;
	v19 =	vadd.f32 v2, v38  }
0x22d: {  	v31 =	vld [tilespmem:s17+$0xFFFFFFF0];
	v27 =	vmul.f32 v5, v27;
	v2 =	vsub.f32 v45, v26;
	v18 =	vadd.f32 v0, v44  }
0x22e: {  	v61 =	vmax.f32 v61, v63;
	v0 =	vsub.f32 v49, v23;
	v5 =	vsub.f32 v1, v3  }
0x22f: {  	v52 =	vsub.f32 v33, v3;
	v44 =	vmax.f32 v55, v63;
	v39 =	vmul.f32 v4, v2  }
0x230: {  	v2 =	vsub.f32 v40, v25;
	v4 =	vsub.f32 v30, v3;
	v38 =	vmul.f32 v8, v0  }
0x231: {  	v40 =	vld [tilespmem:s17+$0x30];
	v0 =	vsub.f32 v28, v3;
	v5 =	vmul.f32 $2.777777850e-03, v5;
	v41 =	vmul.f32 $2.777777850e-03, v52  }
0x232: {  	v29 =	vmul.f32 v37, v2;
	v2 =	vmul.f32 $2.777777850e-03, v4;
	v4 =	vsub.f32 v31, v3  }
0x233: {  	v37 =	vmul.f32 $2.777777850e-03, v51;
	v0 =	vmul.f32 $2.777777850e-03, v0;
	v5 =	vadd.f32 $4.000000000e+00, v5  }
0x234: {  	v60 =	vmin.f32 v44, v56;
	v41 =	vadd.f32 $4.000000000e+00, v41;
	v2 =	vadd.f32 $4.000000000e+00, v2  }
0x235: {  	v4 =	vmul.f32 $2.777777850e-03, v4;
	v37 =	vadd.f32 $4.000000000e+00, v37;
	v0 =	vadd.f32 $4.000000000e+00, v0  }
0x236: {  	v54 =	vsub.f32 v40, v3;
	v5 =	vtrunc.f32 v5;
	v41 =	vtrunc.f32 v41  }
0x237: {  	v4 =	vadd.f32 $4.000000000e+00, v4;
	v2 =	vtrunc.f32 v2;
	v37 =	vtrunc.f32 v37  }
0x238: {  	v5 =	vadd.f32 $-4.000000000e+00, v5;
	v0 =	vtrunc.f32 v0;
	v43 =	vmul.f32 $2.777777850e-03, v54  }
0x239: {  	v2 =	vadd.f32 $-4.000000000e+00, v2;
	v0 =	vcvt.f32.s32 v0;
	v4 =	vtrunc.f32 v4  }
0x23a: {  	v5 =	vmul.f32 $3.600000000e+02, v5;
	v43 =	vadd.f32 $4.000000000e+00, v43;
	v4 =	vadd.f32 $-4.000000000e+00, v4  }
0x23b: {  	v41 =	vadd.f32 $-4.000000000e+00, v41;
	v2 =	vmul.f32 $3.600000000e+02, v2;
	v0 =	vcvt.s32.f32 v0  }
0x23c: {  	v55 =	vld [tilespmem:s0+$0x30];
	v1 =	vsub.f32 v1, v5;
	v43 =	vtrunc.f32 v43;
	v4 =	vmul.f32 $3.600000000e+02, v4  }
0x23d: {  	v5 =	vld [tilespmem:s0+$0x10];
	v2 =	vsub.f32 v30, v2;
	v30 =	vmul.f32 $3.600000000e+02, v41;
	v0 =	vadd.f32 $-4.000000000e+00, v0  }
0x23e: {  	v43 =	vadd.f32 $-4.000000000e+00, v43;
	v1 =	vmax.f32 v1, v3;
	v4 =	vsub.f32 v31, v4  }
0x23f: {  	v31 =	vmul.f32 $3.600000000e+02, v42;
	v30 =	vsub.f32 v33, v30;
	v2 =	vmax.f32 v2, v3  }
0x240: {  	v1 =	vmin.f32 v1, v57;
	v0 =	vmul.f32 $3.600000000e+02, v0;
	v54 =	vmul.f32 $3.600000000e+02, v43  }
0x241: {  	v41 =	vld [tilespmem:s0+$0x0];
	v43 =	vmax.f32 v55, v63;
	v2 =	vmin.f32 v2, v57;
	v1 =	vsub.f32 v1, v3  }
0x242: {  	v31 =	vsub.f32 v34, v31;
	v5 =	vmax.f32 v5, v63;
	v0 =	vsub.f32 v28, v0  }
0x243: {  	v34 =	vmin.f32 v61, v56;
	v43 =	vmin.f32 v43, v56;
	v4 =	vmax.f32 v4, v3  }
0x244: {  	v28 =	vadd.f32 $-4.000000000e+00, v37;
	v37 =	vsub.f32 v60, v63;
	v0 =	vmax.f32 v0, v3  }
0x245: {  	v30 =	vmax.f32 v30, v3;
	v2 =	vsub.f32 v2, v3;
	v0 =	vmin.f32 v0, v57  }
0x246: {  	v41 =	vmax.f32 v41, v63;
	v46 =	vmul.f32 v37, v58;
	v0 =	vsub.f32 v0, v3  }
0x247: {  	v5 =	vmin.f32 v5, v56;
	v34 =	vsub.f32 v34, v63;
	v4 =	vmin.f32 v4, v57  }
0x248: {  	v42 =	vld [tilespmem:s0+$0x20];
	v30 =	vmin.f32 v30, v57;
	v52 =	vtrunc.f32 v46;
	v0 =	vmul.f32 v0, v59  }
0x249: {  	v1 =	vmul.f32 v1, v59;
	v41 =	vmin.f32 v41, v56;
	v47 =	vcvt.f32.s32 v52  }
0x24a: {  	v45 =	vld [tilespmem:s0+$0xFFFFFFE0];
	v31 =	vmax.f32 v31, v3;
	v5 =	vsub.f32 v5, v63;
	v53 =	vtrunc.f32 v0  }
0x24b: {  	v4 =	vsub.f32 v4, v3;
	vm7 =	vlt.s32 v47, $0xB3;
	v48 =	vcvt.f32.s32 v53  }
0x24c: {  	v2 =	vmul.f32 v2, v59;
	v37 =	vld [tilespmem:s0+$0xFFFFFFF0];
	v28 =	vmul.f32 $3.600000000e+02, v28;
	v47 =	vnsel vm7, $0xB3, v47  }
0x24d: {  	v42 =	vmax.f32 v42, v63;
	v60 =	vmul.u32 $0x168, v47;
	vm8 =	vlt.s32 v48, $0x166  }
0x24e: {  	v28 =	vsub.f32 v32, v28;
	v32 =	vsub.f32 v40, v54;
	v40 =	vnsel vm8, $0x166, v48  }
0x24f: {  	v41 =	vsub.f32 v41, v63;
	v52 =	vmax.f32 v45, v63;
	v33 =	vadd.s32 v60, v40  }
0x250: {  	v42 =	vmin.f32 v42, v56;
	v44 =	vmin.f32 v52, v56;
	v53 =	vadd.s32 $0x1, v33  }
0x251: {  	v37 =	vmax.f32 v37, v63;
	v44 =	vsub.f32 v44, v63;
	v54 =	vadd.s32 $0x168, v33  }
0x252: {  	v15 =	vld.idx.msk [tilespmem:v15+s3+$0x0], $0xffff;
	v4 =	vmul.f32 v4, v59;
	v37 =	vmin.f32 v37, v56;
	v55 =	vadd.s32 $0x169, v33  }
0x253: {  	v52 =	vsub.f32 v37, v63;
	v37 =	vmul.f32 v34, v58;
	v12 =	vmul.f32 v44, v58;
	v44 =	vld.idx.msk [tilespmem:v14+s3+$0x0], $0xffff  }
0x254: {  	v42 =	vsub.f32 v42, v63;
	v34 =	vmul.f32 v41, v58;
	v41 =	vtrunc.f32 v1;
	v50 =	vld.idx.msk [tilespmem:v33+s3+$0x0], $0xffff  }
0x255: {  	v28 =	vmax.f32 v28, v3;
	v32 =	vmax.f32 v32, v3;
	v41 =	vcvt.f32.s32 v41;
	v60 =	vld.idx.msk [tilespmem:v53+s3+$0x0], $0xffff  }
0x256: {  	v28 =	vmin.f32 v28, v57;
	v33 =	vmul.f32 v52, v58;
	v45 =	vld.idx.msk [tilespmem:v54+s3+$0x0], $0xffff;
	v53 =	vcvt.s32.f32 v40  }
0x257: {  	v61 =	vld.idx.msk [tilespmem:v55+s3+$0x0], $0xffff;
	v54 =	vsub.f32 v43, v63;
	v55 =	vmin.f32 v31, v57;
	v57 =	vmin.f32 v32, v57  }
0x258: {  	v32 =	vadd.f32 v39, v26;
	v26 =	vtrunc.f32 v12;
	v14 =	vsub.f32 v55, v3  }
0x259: {  	v0 =	vsub.f32 v0, v53;
	v53 =	vsub.f32 v30, v3;
	v30 =	vmul.f32 v42, v58  }
0x25a: {  	v42 =	vsub.f32 v15, v44;
	v15 =	vadd.f32 v27, v24;
	v27 =	vcvt.f32.s32 v26  }
0x25b: {  	v43 =	vld.idx.msk [tilespmem:v7+s3+$0x0], $0xffff;
	v7 =	vsub.f32 v57, v3;
	v55 =	vtrunc.f32 v33;
	v31 =	vsub.f32 v60, v50  }
0x25c: {  	vm10 =	vlt.s32 v27, $0xB3;
	v56 =	vsub.f32 v61, v45;
	v61 =	vsub.f32 v28, v3  }
0x25d: {  	v28 =	vmul.f32 v54, v58;
	v54 =	vld.idx.msk [tilespmem:v36+s3+$0x0], $0xffff;
	v36 =	vadd.f32 v35, v16;
	v16 =	vmul.f32 v53, v59  }
0x25e: {  	v35 =	vadd.f32 v38, v23;
	v23 =	vmul.f32 v7, v59;
	v60 =	vmul.f32 v0, v31  }
0x25f: {  	v53 =	vnsel vm10, $0xB3, v27;
	v0 =	vmul.f32 v0, v56;
	v31 =	vmul.f32 v5, v58  }
0x260: {  	vm10 =	vlt.s32 v41, $0x166;
	v5 =	vcvt.s32.f32 v47;
	v58 =	vtrunc.f32 v30  }
0x261: {  	v41 =	vnsel vm10, $0x166, v41;
	v56 =	vtrunc.f32 v34;
	v38 =	vcvt.f32.s32 v58  }
0x262: {  	v52 =	vadd.f32 v60, v50;
	v0 =	vadd.f32 v0, v45;
	v45 =	vmul.f32 v14, v59  }
0x263: {  	v5 =	vsub.f32 v46, v5;
	v14 =	vtrunc.f32 v37;
	v57 =	vtrunc.f32 v31  }
0x264: {  	v60 =	vtrunc.f32 v2;
	v47 =	vsub.f32 v54, v43;
	v24 =	vcvt.f32.s32 v14  }
0x265: {  	v14 =	vadd.f32 v29, v25;
	v25 =	vcvt.f32.s32 v55;
	v29 =	vcvt.f32.s32 v56  }
0x266: {  	v60 =	vcvt.f32.s32 v60;
	vm14 =	vlt.s32 v38, $0xB3;
	v0 =	vsub.f32 v0, v52  }
0x267: {  	v58 =	vtrunc.f32 v45;
	v39 =	vnsel vm14, $0xB3, v38;
	vm9 =	vlt.s32 v24, $0xB3  }
0x268: {  	vm11 =	vlt.s32 v25, $0xB3;
	v50 =	vcvt.f32.s32 v58;
	v47 =	vmul.f32 v8, v47  }
0x269: {  	vm12 =	vlt.s32 v29, $0xB3;
	v0 =	vmul.f32 v0, v5;
	v5 =	vmul.f32 v61, v59  }
0x26a: {  	v59 =	vtrunc.f32 v28;
	v61 =	vtrunc.f32 v4;
	v24 =	vnsel vm9, $0xB3, v24  }
0x26b: {  	v25 =	vnsel vm11, $0xB3, v25;
	v54 =	vnsel vm12, $0xB3, v29;
	v40 =	vcvt.f32.s32 v59  }
0x26c: {  	vm9 =	vlt.s32 v60, $0x166;
	v59 =	vtrunc.f32 v23;
	v46 =	vcvt.f32.s32 v61  }
0x26d: {  	v29 =	vmul.u32 $0x168, v24;
	vm14 =	vlt.s32 v50, $0x166;
	v61 =	vnsel vm9, $0x166, v60  }
0x26e: {  	v60 =	vmul.u32 $0x168, v25;
	v55 =	vmul.u32 $0x168, v54;
	v24 =	vcvt.s32.f32 v24  }
0x26f: {  	v26 =	vadd.f32 v0, v52;
	v0 =	vcvt.f32.s32 v57;
	v56 =	vtrunc.f32 v5  }
0x270: {  	v57 =	vtrunc.f32 v16;
	v27 =	vcvt.f32.s32 v59;
	v50 =	vnsel vm14, $0x166, v50  }
0x271: {  	v48 =	vcvt.f32.s32 v56;
	vm15 =	vlt.s32 v40, $0xB3;
	v49 =	vcvt.f32.s32 v57  }
0x272: {  	vm11 =	vlt.s32 v46, $0x166;
	v29 =	vadd.s32 v29, v61;
	v61 =	vcvt.s32.f32 v61  }
0x273: {  	vm13 =	vlt.s32 v0, $0xB3;
	v38 =	vnsel vm15, $0xB3, v40;
	vm15 =	vlt.s32 v27, $0x166  }
0x274: {  	v40 =	vmul.u32 $0x168, v53;
	v57 =	vadd.s32 $0x1, v29;
	v46 =	vnsel vm11, $0x166, v46  }
0x275: {  	v59 =	vadd.s32 $0x168, v29;
	v51 =	vadd.s32 $0x169, v29;
	v0 =	vnsel vm13, $0xB3, v0  }
0x276: {  	vm12 =	vlt.s32 v48, $0x166;
	vm13 =	vlt.s32 v49, $0x166;
	v52 =	vadd.s32 v60, v46  }
0x277: {  	v2 =	vsub.f32 v2, v61;
	v56 =	vmul.u32 $0x168, v0;
	v48 =	vnsel vm12, $0x166, v48  }
0x278: {  	v58 =	vadd.s32 v40, v41;
	v41 =	vcvt.s32.f32 v41;
	v61 =	vld.idx.msk [tilespmem:v29+s3+$0x0], $0xffff;
	v29 =	vcvt.s32.f32 v46  }
0x279: {  	v49 =	vnsel vm13, $0x166, v49;
	v60 =	vadd.s32 $0x1, v58;
	v55 =	vadd.s32 v55, v48;
	v57 =	vld.idx.msk [tilespmem:v57+s3+$0x0], $0xffff  }
0x27a: {  	v1 =	vsub.f32 v1, v41;
	v46 =	vadd.s32 $0x168, v58;
	v51 =	vld.idx.msk [tilespmem:v51+s3+$0x0], $0xffff;
	v40 =	vsub.f32 v4, v29  }
0x27b: {  	v4 =	vadd.s32 $0x169, v58;
	v29 =	vcvt.s32.f32 v48;
	v48 =	vld.idx.msk [tilespmem:v59+s3+$0x0], $0xffff;
	v59 =	vcvt.s32.f32 v49  }
0x27c: {  	v56 =	vadd.s32 v56, v49;
	v49 =	vmul.f32 v9, v42;
	v9 =	vmul.u32 $0x168, v39  }
0x27d: {  	v58 =	vld.idx.msk [tilespmem:v58+s3+$0x0], $0xffff;
	v42 =	vsub.f32 v5, v29;
	v5 =	vadd.s32 $0x168, v52;
	v41 =	vsub.f32 v16, v59  }
0x27e: {  	v16 =	vadd.s32 $0x169, v52;
	v59 =	vld.idx.msk [tilespmem:v60+s3+$0x0], $0xffff;
	v29 =	vadd.s32 v9, v50;
	v9 =	vcvt.s32.f32 v50  }
0x27f: {  	v8 =	vmul.u32 $0x168, v38;
	v60 =	vld.idx.msk [tilespmem:v46+s3+$0x0], $0xffff;
	v46 =	vsub.f32 v57, v61;
	v57 =	vnsel vm15, $0x166, v27  }
0x280: {  	v9 =	vsub.f32 v45, v9;
	v4 =	vld.idx.msk [tilespmem:v4+s3+$0x0], $0xffff;
	v50 =	vcvt.s32.f32 v57;
	v51 =	vsub.f32 v51, v48  }
0x281: {  	v27 =	vadd.s32 v8, v57;
	v57 =	vadd.s32 $0x168, v55;
	v46 =	vmul.f32 v2, v46  }
0x282: {  	v5 =	vld.idx.msk [tilespmem:v5+s3+$0x0], $0xffff;
	v7 =	vsub.f32 v23, v50;
	v23 =	vadd.s32 $0x169, v55;
	v2 =	vmul.f32 v2, v51  }
0x283: {  	v50 =	vadd.s32 $0x1, v52;
	v59 =	vsub.f32 v59, v58;
	v45 =	vadd.f32 v46, v61;
	v46 =	vld.idx.msk [tilespmem:v16+s3+$0x0], $0xffff  }
0x284: {  	v51 =	vsub.f32 v17, v32;
	v16 =	vadd.f32 v49, v44;
	v44 =	vadd.s32 $0x1, v55  }
0x285: {  	v17 =	vadd.f32 v47, v43;
	v43 =	vmovc v7;
	v7 =	vadd.s32 $0x169, v29;
	v4 =	vsub.f32 v4, v60  }
0x286: {  	v25 =	vcvt.s32.f32 v25;
	v47 =	vadd.s32 $0x1, v56;
	v61 =	vmul.f32 v1, v59;
	v49 =	vld.idx.msk [tilespmem:v57+s3+$0x0], $0xffff  }
0x287: {  	v2 =	vadd.f32 v2, v48;
	v1 =	vmul.f32 v1, v4;
	v4 =	vadd.s32 $0x168, v56;
	v23 =	vld.idx.msk [tilespmem:v23+s3+$0x0], $0xffff  }
0x288: {  	v59 =	vadd.s32 $0x168, v29;
	v48 =	vsub.f32 v46, v5;
	v46 =	vadd.f32 v61, v58;
	v61 =	vld.idx.msk [tilespmem:v50+s3+$0x0], $0xffff  }
0x289: {  	s15 =	simm.s32 $0x17D40;
	v54 =	vcvt.s32.f32 v54;
	v24 =	vsub.f32 v37, v24;
	v57 =	vadd.s32 $0x169, v56;
	v44 =	vld.idx.msk [tilespmem:v44+s3+$0x0], $0xffff  }
0x28a: {  	[tilespmem:s15+$0xFFFFFFC0] =	vst v26;
	v37 =	vadd.s32 $0x1, v27;
	v26 =	vsub.f32 v36, v16;
	v58 =	vadd.s32 $0x1, v29;
	v7 =	vld.idx.msk [tilespmem:v7+s3+$0x0], $0xffff  }
0x28b: {  	v1 =	vadd.f32 v1, v60;
	v50 =	vmul.f32 v40, v48;
	v48 =	vmul.f32 v51, v21;
	v21 =	vld.idx.msk [tilespmem:v47+s3+$0x0], $0xffff  }
0x28c: {  	v2 =	vsub.f32 v2, v45;
	v60 =	vsub.f32 v13, v15;
	v51 =	vld.idx.msk [tilespmem:v4+s3+$0x0], $0xffff;
	v4 =	vadd.s32 $0x168, v27  }
0x28d: {  	v0 =	vcvt.s32.f32 v0;
	v47 =	vld.idx.msk [tilespmem:v59+s3+$0x0], $0xffff;
	v59 =	vsub.f32 v34, v54;
	v1 =	vsub.f32 v1, v46  }
0x28e: {  	v26 =	vmul.f32 v26, v6;
	v8 =	vadd.f32 v50, v5;
	v5 =	vld.idx.msk [tilespmem:v57+s3+$0x0], $0xffff;
	v57 =	vsub.f32 v23, v49  }
0x28f: {  	s1 =	simm.s32 $0x17CC0;
	v50 =	vmul.f32 v60, v11;
	v60 =	vadd.s32 $0x169, v27;
	v11 =	vcvt.s32.f32 v53;
	v23 =	vld.idx.msk [tilespmem:v58+s3+$0x0], $0xffff  }
0x290: {  	[tilespmem:s1+$0xFFFFFFD0] =	vst v20;
	v58 =	vsub.f32 v33, v25;
	v25 =	vld.idx.msk [tilespmem:v37+s3+$0x0], $0xffff;
	v33 =	vsub.f32 v31, v0;
	v0 =	vcvt.s32.f32 v39  }
0x291: {  	[tilespmem:s1+$0xFFFFFFE0] =	vst v19;
	v53 =	vmul.f32 v2, v24;
	v2 =	vsub.f32 v18, v14;
	v19 =	vld.idx.msk [tilespmem:v4+s3+$0x0], $0xffff;
	v4 =	vcvt.s32.f32 v38  }
0x292: {  	v57 =	vmul.f32 v42, v57;
	v20 =	vsub.f32 v12, v11;
	v34 =	vsub.f32 v30, v0;
	v30 =	vld.idx.msk [tilespmem:v56+s3+$0x0], $0xffff  }
0x293: {  	v36 =	vmul.f32 v2, v62;
	v0 =	vsub.f32 v5, v51;
	v18 =	vsub.f32 v28, v4;
	v28 =	vld.idx.msk [tilespmem:v55+s3+$0x0], $0xffff  }
0x294: {  	[tilespmem:s1+$0xFFFFFFC0] =	vst v10;
	v56 =	vmov v9;
	v24 =	vadd.f32 v57, v49;
	v54 =	vmul.f32 v1, v20;
	v20 =	vld.idx.msk [tilespmem:v52+s3+$0x0], $0xffff  }
0x295: {  	s7 =	simm.s32 $0x14BC0;
	s6 =	simm.s32 $0x80;
	s14 =	simm.s32 $0x17D40;
	v52 =	vsub.f32 v35, v17;
	v35 =	vsub.f32 v7, v47;
	v39 =	vld.idx.msk [tilespmem:v60+s3+$0x0], $0xffff;
	v31 =	vmul.f32 v41, v0  }
.LBB2_5:
0x296: {  	v0 =	vld [tilespmem:s7+$0xFFFFFFC0]  }
0x297: {  	v1 =	vadd.f32 v53, v45;
	v62 =	vld [tilespmem:s7+$0xFFFFFFE0]  }
0x298: {  	v6 =	vadd.f32 v31, v51;
	v45 =	vsub.f32 v44, v28;
	v37 =	vld [tilespmem:s7+$0x10];
	v5 =	vmul.f32 v56, v35  }
0x299: {  	v2 =	vmov v33;
	v38 =	vld [tilespmem:s7+$0x20];
	v4 =	vadd.f32 v54, v46;
	v15 =	vadd.f32 v50, v15  }
0x29a: {  	[tilespmem:$0x1FE80] =	vst v2;
	v2 =	vld [tilespmem:s7+$0xFFFFFFD0];
	v16 =	vadd.f32 v26, v16;
	v5 =	vadd.f32 v5, v47  }
0x29b: {  	s0 =	sadd.s32 $0x80, s0;
	v10 =	vmov v34;
	v34 =	vld [tilespmem:s7+$0xFFFFFFF0];
	[tilespmem:s15+$0xFFFFFFD0] =	vst v1;
	v7 =	vadd.f32 v48, v32;
	v1 =	vsub.f32 v39, v19  }
0x29c: {  	v60 =	vld [tilespmem:s0+$0x20];
	[tilespmem:s15+$0xFFFFFFE0] =	vst v4;
	v4 =	vsub.f32 v61, v20;
	v21 =	vsub.f32 v21, v30  }
0x29d: {  	v53 =	vld [tilespmem:s0+$0xFFFFFFD0];
	v31 =	vmul.f32 v52, v22;
	[tilespmem:$0x1FE00] =	vst v5;
	v46 =	vsub.f32 v0, v3;
	v47 =	vsub.f32 v62, v3  }
0x29e: {  	v5 =	vld [tilespmem:s7+$0x0];
	[tilespmem:s1+$0x0] =	vst v15;
	v49 =	vsub.f32 v37, v3;
	v50 =	vsub.f32 v38, v3;
	v1 =	vmul.f32 v43, v1  }
0x29f: {  	v52 =	vld [tilespmem:s0+$0xFFFFFFC0];
	[tilespmem:s1+$0xFFFFFFF0] =	vst v7;
	v7 =	vadd.f32 v36, v14;
	v4 =	vmul.f32 v40, v4;
	v15 =	vsub.f32 v2, v3  }
0x2a0: {  	v54 =	vld [tilespmem:s0+$0xFFFFFFE0];
	v14 =	vmul.f32 v42, v45;
	v40 =	vmul.f32 v41, v21;
	v48 =	vsub.f32 v34, v3  }
0x2a1: {  	v60 =	vmax.f32 v60, v63;
	v17 =	vadd.f32 v31, v17;
	v35 =	vmul.f32 $2.777777850e-03, v49  }
0x2a2: {  	v36 =	vld [tilespmem:s7+$0x30];
	v39 =	vmul.f32 $2.777777850e-03, v50;
	v1 =	vadd.f32 v1, v19;
	v15 =	vmul.f32 $2.777777850e-03, v15  }
0x2a3: {  	v21 =	vld.idx.msk [tilespmem:v27+s3+$0x0], $0xffff;
	v12 =	vadd.f32 v4, v20;
	v4 =	vmul.f32 $2.777777850e-03, v47;
	v27 =	vmul.f32 $2.777777850e-03, v48  }
0x2a4: {  	v55 =	vld [tilespmem:s0+$0xFFFFFFF0];
	v35 =	vadd.f32 $4.000000000e+00, v35;
	v39 =	vadd.f32 $4.000000000e+00, v39;
	v42 =	vmax.f32 v52, v63  }
0x2a5: {  	v20 =	vld.idx.msk [tilespmem:v29+s3+$0x0], $0xffff;
	v52 =	vmax.f32 v53, v63;
	v53 =	vmax.f32 v54, v63;
	v29 =	vsub.f32 v5, v3  }
0x2a6: {  	v57 =	vld [tilespmem:s0+$0x0];
	[tilespmem:$0x1FE10] =	vst v1;
	v1 =	vmul.f32 $2.777777850e-03, v46;
	v15 =	vadd.f32 $4.000000000e+00, v15;
	v4 =	vadd.f32 $4.000000000e+00, v4  }
0x2a7: {  	[tilespmem:s1+$0x10] =	vst v7;
	v7 =	vld [tilespmem:$0x1FFC0];
	v27 =	vadd.f32 $4.000000000e+00, v27;
	v35 =	vtrunc.f32 v35;
	v39 =	vtrunc.f32 v39  }
0x2a8: {  	v51 =	vsub.f32 v36, v3;
	v29 =	vmul.f32 $2.777777850e-03, v29;
	v15 =	vtrunc.f32 v15  }
0x2a9: {  	v1 =	vadd.f32 $4.000000000e+00, v1;
	v4 =	vtrunc.f32 v4;
	v27 =	vtrunc.f32 v27  }
0x2aa: {  	v35 =	vadd.f32 $-4.000000000e+00, v35;
	v39 =	vadd.f32 $-4.000000000e+00, v39;
	v54 =	vmax.f32 v55, v63  }
0x2ab: {  	v55 =	vmax.f32 v57, v63;
	v41 =	vmul.f32 $2.777777850e-03, v51;
	v15 =	vadd.f32 $-4.000000000e+00, v15  }
0x2ac: {  	[tilespmem:$0x1FEA0] =	vst v10;
	v10 =	vld [tilespmem:$0x1FFE0];
	v4 =	vadd.f32 $-4.000000000e+00, v4;
	v27 =	vadd.f32 $-4.000000000e+00, v27;
	v42 =	vmin.f32 v42, v7  }
0x2ad: {  	v44 =	vmin.f32 v60, v7;
	v1 =	vtrunc.f32 v1;
	v29 =	vadd.f32 $4.000000000e+00, v29  }
0x2ae: {  	v42 =	vsub.f32 v42, v63;
	v49 =	vmul.f32 $3.600000000e+02, v39;
	v39 =	vmin.f32 v54, v7  }
0x2af: {  	v44 =	vsub.f32 v44, v63;
	v1 =	vcvt.f32.s32 v1;
	v15 =	vmul.f32 $3.600000000e+02, v15  }
0x2b0: {  	v41 =	vadd.f32 $4.000000000e+00, v41;
	v4 =	vmul.f32 $3.600000000e+02, v4;
	v27 =	vmul.f32 $3.600000000e+02, v27  }
0x2b1: {  	v48 =	vld [tilespmem:s0+$0x30];
	v39 =	vsub.f32 v39, v63;
	v29 =	vtrunc.f32 v29;
	v42 =	vmul.f32 v42, v10  }
0x2b2: {  	v9 =	vmovc v18;
	v33 =	vsub.f32 v38, v49;
	v38 =	vmin.f32 v53, v7;
	v1 =	vcvt.s32.f32 v1  }
0x2b3: {  	[tilespmem:$0x1FE70] =	vst v9;
	v9 =	vld [tilespmem:$0x1FFD0];
	v41 =	vtrunc.f32 v41;
	v2 =	vsub.f32 v2, v15;
	v4 =	vsub.f32 v62, v4  }
0x2b4: {  	v15 =	vmul.f32 $3.600000000e+02, v35;
	v27 =	vsub.f32 v34, v27;
	v41 =	vadd.f32 $-4.000000000e+00, v41  }
0x2b5: {  	v61 =	vtrunc.f32 v42;
	v33 =	vmax.f32 v33, v3;
	v1 =	vadd.f32 $-4.000000000e+00, v1  }
0x2b6: {  	v62 =	vcvt.f32.s32 v61;
	v15 =	vsub.f32 v37, v15;
	v61 =	vmax.f32 v48, v63  }
0x2b7: {  	v2 =	vmax.f32 v2, v3;
	v4 =	vmax.f32 v4, v3;
	v27 =	vmax.f32 v27, v3  }
0x2b8: {  	v11 =	vld [tilespmem:$0x1FFF0];
	v33 =	vmin.f32 v33, v9;
	v45 =	vmin.f32 v61, v7;
	v2 =	vmin.f32 v2, v9  }
0x2b9: {  	v4 =	vmin.f32 v4, v9;
	v49 =	vsub.f32 v33, v3;
	v1 =	vmul.f32 $3.600000000e+02, v1  }
0x2ba: {  	v27 =	vmin.f32 v27, v9;
	v33 =	vadd.f32 v40, v30;
	v45 =	vsub.f32 v45, v63  }
0x2bb: {  	vm0 =	vlt.s32 v62, $0xB3;
	v4 =	vsub.f32 v4, v3;
	v0 =	vsub.f32 v0, v1  }
0x2bc: {  	v15 =	vmax.f32 v15, v3;
	v2 =	vsub.f32 v2, v3;
	v27 =	vsub.f32 v27, v3  }
0x2bd: {  	v1 =	vadd.f32 $-4.000000000e+00, v29;
	v29 =	vld [tilespmem:s0+$0x10];
	v22 =	vmul.f32 v4, v11;
	v0 =	vmax.f32 v0, v3  }
0x2be: {  	v37 =	vnsel vm0, $0xB3, v62;
	v15 =	vmin.f32 v15, v9;
	v0 =	vmin.f32 v0, v9  }
0x2bf: {  	[tilespmem:s1+$0x30] =	vst v17;
	v1 =	vmul.f32 $3.600000000e+02, v1;
	v17 =	vtrunc.f32 v22;
	v0 =	vsub.f32 v0, v3  }
0x2c0: {  	v51 =	vmul.u32 $0x168, v37;
	v60 =	vsub.f32 v15, v3;
	v17 =	vcvt.f32.s32 v17  }
0x2c1: {  	v1 =	vsub.f32 v5, v1;
	v5 =	vmul.f32 $3.600000000e+02, v41;
	v0 =	vmul.f32 v0, v11  }
0x2c2: {  	v41 =	vmin.f32 v55, v7;
	v55 =	vsub.f32 v38, v63;
	v29 =	vmax.f32 v29, v63  }
0x2c3: {  	v41 =	vsub.f32 v41, v63;
	v5 =	vsub.f32 v36, v5;
	v50 =	vtrunc.f32 v0  }
0x2c4: {  	v36 =	vmin.f32 v52, v7;
	v29 =	vmin.f32 v29, v7;
	v35 =	vcvt.f32.s32 v50  }
0x2c5: {  	v1 =	vmax.f32 v1, v3;
	v54 =	vsub.f32 v36, v63;
	v29 =	vsub.f32 v29, v63  }
0x2c6: {  	v1 =	vmin.f32 v1, v9;
	v36 =	vmul.f32 v39, v10;
	vm14 =	vlt.s32 v35, $0x166  }
0x2c7: {  	v39 =	vmul.f32 v41, v10;
	v5 =	vmax.f32 v5, v3;
	v35 =	vnsel vm14, $0x166, v35  }
0x2c8: {  	v1 =	vsub.f32 v1, v3;
	v5 =	vmin.f32 v5, v9;
	v34 =	vadd.s32 v51, v35  }
0x2c9: {  	v9 =	vmul.f32 v54, v10;
	v7 =	vmul.f32 v29, v10;
	v57 =	vadd.s32 $0x1, v34  }
0x2ca: {  	v29 =	vcvt.s32.f32 v37;
	v37 =	vmul.f32 v44, v10;
	v62 =	vadd.s32 $0x168, v34  }
0x2cb: {  	v44 =	vmul.f32 v60, v11;
	v4 =	vtrunc.f32 v36;
	v52 =	vadd.s32 $0x169, v34  }
0x2cc: {  	v5 =	vsub.f32 v5, v3;
	v41 =	vmul.f32 v1, v11;
	v4 =	vcvt.f32.s32 v4  }
0x2cd: {  	vm10 =	vlt.s32 v17, $0x166;
	v1 =	vtrunc.f32 v9;
	v61 =	vtrunc.f32 v44;
	v53 =	vld.idx.msk [tilespmem:v34+s3+$0x0], $0xffff  }
0x2ce: {  	[tilespmem:$0x1FDF0] =	vst v43;
	v17 =	vnsel vm10, $0x166, v17;
	v30 =	vmul.f32 v5, v11;
	v1 =	vcvt.f32.s32 v1;
	v43 =	vld.idx.msk [tilespmem:v57+s3+$0x0], $0xffff  }
0x2cf: {  	v5 =	vsub.f32 v8, v12;
	v31 =	vtrunc.f32 v41;
	v40 =	vcvt.f32.s32 v61;
	v46 =	vld.idx.msk [tilespmem:v62+s3+$0x0], $0xffff  }
0x2d0: {  	vm2 =	vlt.s32 v4, $0xB3;
	v35 =	vcvt.s32.f32 v35;
	v31 =	vcvt.f32.s32 v31;
	v57 =	vld.idx.msk [tilespmem:v52+s3+$0x0], $0xffff  }
0x2d1: {  	v4 =	vnsel vm2, $0xB3, v4;
	[tilespmem:$0x1FE20] =	vst v5;
	v5 =	vtrunc.f32 v7;
	vm15 =	vlt.s32 v1, $0xB3  }
0x2d2: {  	v63 =	vtrunc.f32 v30;
	v0 =	vsub.f32 v0, v35;
	v5 =	vcvt.f32.s32 v5  }
0x2d3: {  	v35 =	vmul.f32 v55, v10;
	v1 =	vnsel vm15, $0xB3, v1;
	v32 =	vcvt.f32.s32 v63  }
0x2d4: {  	vm12 =	vlt.s32 v31, $0x166;
	vm4 =	vlt.s32 v5, $0xB3;
	v43 =	vsub.f32 v43, v53  }
0x2d5: {  	vm15 =	vlt.s32 v32, $0x166;
	v34 =	vadd.f32 v14, v28;
	v38 =	vsub.f32 v57, v46  }
0x2d6: {  	v28 =	vmul.f32 v49, v11;
	v50 =	vnsel vm4, $0xB3, v5;
	v15 =	vmul.f32 v0, v43  }
0x2d7: {  	v5 =	vmul.u32 $0x168, v1;
	v0 =	vmul.f32 v0, v38;
	v38 =	vmul.f32 v45, v10  }
0x2d8: {  	[tilespmem:$0x1FE60] =	vst v7;
	v7 =	vsub.f32 v24, v34;
	v45 =	vmul.f32 v2, v11;
	v2 =	vtrunc.f32 v35  }
0x2d9: {  	v62 =	vtrunc.f32 v28;
	v2 =	vcvt.f32.s32 v2;
	v48 =	vadd.f32 v15, v53  }
0x2da: {  	v15 =	vsub.f32 v42, v29;
	v42 =	vmul.f32 v27, v11;
	v27 =	vtrunc.f32 v37  }
0x2db: {  	[tilespmem:s1+$0x20] =	vst v16;
	v0 =	vadd.f32 v0, v46;
	v29 =	vtrunc.f32 v38;
	v16 =	vtrunc.f32 v45  }
0x2dc: {  	v24 =	vmovc v58;
	v58 =	vnsel vm15, $0x166, v32;
	v46 =	vcvt.f32.s32 v62;
	v26 =	vcvt.f32.s32 v27  }
0x2dd: {  	vm1 =	vlt.s32 v2, $0xB3;
	v27 =	vcvt.f32.s32 v29;
	v0 =	vsub.f32 v0, v48  }
0x2de: {  	v16 =	vcvt.f32.s32 v16;
	v29 =	vtrunc.f32 v42;
	v2 =	vnsel vm1, $0xB3, v2  }
0x2df: {  	vm14 =	vlt.s32 v46, $0x166;
	vm5 =	vlt.s32 v26, $0xB3;
	v0 =	vmul.f32 v0, v15  }
0x2e0: {  	v29 =	vcvt.f32.s32 v29;
	vm6 =	vlt.s32 v27, $0xB3;
	vm9 =	vlt.s32 v16, $0x166  }
0x2e1: {  	v46 =	vnsel vm14, $0x166, v46;
	v47 =	vnsel vm6, $0xB3, v27;
	v0 =	vadd.f32 v0, v48  }
0x2e2: {  	s15 =	sadd.s32 $0x80, s15;
	v27 =	vmul.u32 $0x168, v4;
	v16 =	vnsel vm9, $0x166, v16;
	vm11 =	vlt.s32 v29, $0x166  }
0x2e3: {  	v5 =	vadd.s32 v5, v16;
	v48 =	vnsel vm5, $0xB3, v26;
	[tilespmem:s15+$0xFFFFFFC0] =	vst v0;
	v0 =	vtrunc.f32 v39  }
0x2e4: {  	v26 =	vmul.u32 $0x168, v2;
	v51 =	vadd.s32 $0x1, v5;
	v0 =	vcvt.f32.s32 v0  }
0x2e5: {  	v55 =	vnsel vm11, $0x166, v29;
	v32 =	vadd.s32 $0x168, v5;
	v53 =	vadd.s32 $0x169, v5  }
0x2e6: {  	v62 =	vmul.u32 $0x168, v48;
	v57 =	vadd.s32 v26, v17;
	vm3 =	vlt.s32 v0, $0xB3  }
0x2e7: {  	v19 =	vmovc v59;
	v49 =	vadd.s32 v27, v55;
	v59 =	vadd.s32 $0x168, v57;
	v0 =	vnsel vm3, $0xB3, v0  }
0x2e8: {  	v29 =	vadd.s32 v62, v46;
	v62 =	vadd.s32 $0x168, v49;
	v5 =	vld.idx.msk [tilespmem:v5+s3+$0x0], $0xffff;
	v60 =	vmul.u32 $0x168, v0  }
0x2e9: {  	vm13 =	vlt.s32 v40, $0x166;
	v43 =	vmovc v56;
	v56 =	vnsel vm12, $0x166, v31;
	v16 =	vcvt.s32.f32 v16;
	v51 =	vld.idx.msk [tilespmem:v51+s3+$0x0], $0xffff  }
0x2ea: {  	v61 =	vmul.u32 $0x168, v50;
	v52 =	vld.idx.msk [tilespmem:v32+s3+$0x0], $0xffff;
	v31 =	vadd.s32 v60, v56;
	v60 =	vadd.s32 $0x169, v57  }
0x2eb: {  	v40 =	vnsel vm13, $0x166, v40;
	v55 =	vcvt.s32.f32 v55;
	v16 =	vsub.f32 v45, v16;
	v53 =	vld.idx.msk [tilespmem:v53+s3+$0x0], $0xffff  }
0x2ec: {  	v45 =	vcvt.s32.f32 v56;
	v26 =	vadd.s32 v61, v40;
	v17 =	vcvt.s32.f32 v17;
	v59 =	vld.idx.msk [tilespmem:v59+s3+$0x0], $0xffff  }
0x2ed: {  	v54 =	vadd.s32 $0x1, v57;
	v56 =	vcvt.s32.f32 v40;
	v40 =	vsub.f32 v42, v55;
	v55 =	vld.idx.msk [tilespmem:v62+s3+$0x0], $0xffff  }
0x2ee: {  	v25 =	vsub.f32 v25, v21;
	v23 =	vsub.f32 v23, v20;
	v62 =	vld [tilespmem:$0x1FDF0]  }
0x2ef: {  	v63 =	vmul.u32 $0x168, v47;
	v22 =	vsub.f32 v22, v17;
	v51 =	vsub.f32 v51, v5;
	v17 =	vld.idx.msk [tilespmem:v60+s3+$0x0], $0xffff  }
0x2f0: {  	v6 =	vsub.f32 v6, v33;
	v23 =	vmul.f32 v43, v23;
	v10 =	vadd.s32 $0x1, v26  }
0x2f1: {  	v27 =	vadd.s32 v63, v58;
	v42 =	vsub.f32 v41, v45;
	v45 =	vmul.f32 v16, v51  }
0x2f2: {  	v61 =	vadd.s32 $0x1, v49;
	v63 =	vadd.s32 $0x169, v49;
	v54 =	vld.idx.msk [tilespmem:v54+s3+$0x0], $0xffff;
	v51 =	vsub.f32 v53, v52  }
0x2f3: {  	[tilespmem:$0x1FE90] =	vst v6;
	v57 =	vld.idx.msk [tilespmem:v57+s3+$0x0], $0xffff;
	v6 =	vadd.s32 $0x1, v31;
	v25 =	vmul.f32 v62, v25;
	v45 =	vadd.f32 v45, v5  }
0x2f4: {  	v5 =	vmul.f32 v16, v51;
	v16 =	vadd.f32 v23, v20;
	v20 =	vsub.f32 v17, v59  }
0x2f5: {  	[tilespmem:$0x1FE40] =	vst v12;
	v12 =	vadd.s32 $0x168, v31;
	v17 =	vadd.f32 v25, v21;
	v21 =	vld.idx.msk [tilespmem:v10+s3+$0x0], $0xffff  }
0x2f6: {  	v46 =	vcvt.s32.f32 v46;
	v10 =	vmul.f32 v22, v20;
	v20 =	vld [tilespmem:$0x1FE20]  }
0x2f7: {  	[tilespmem:$0x1FE50] =	vst v7;
	v7 =	vadd.s32 $0x169, v26;
	v61 =	vld.idx.msk [tilespmem:v61+s3+$0x0], $0xffff;
	v41 =	vsub.f32 v44, v56  }
0x2f8: {  	v11 =	vadd.s32 $0x168, v26;
	v56 =	vsub.f32 v28, v46;
	v53 =	vld.idx.msk [tilespmem:v63+s3+$0x0], $0xffff;
	v28 =	vsub.f32 v54, v57  }
0x2f9: {  	v8 =	vadd.s32 $0x1, v29;
	v44 =	vld.idx.msk [tilespmem:v6+s3+$0x0], $0xffff  }
0x2fa: {  	[tilespmem:$0x1FE30] =	vst v9;
	v13 =	vadd.s32 $0x169, v31;
	v6 =	vld.idx.msk [tilespmem:v12+s3+$0x0], $0xffff;
	v12 =	vmul.f32 v22, v28  }
0x2fb: {  	v22 =	vcvt.s32.f32 v48;
	v48 =	vmul.f32 v20, v24;
	v20 =	vld [tilespmem:$0x1FE30]  }
0x2fc: {  	v9 =	vadd.s32 $0x168, v29;
	v7 =	vld.idx.msk [tilespmem:v7+s3+$0x0], $0xffff  }
0x2fd: {  	v51 =	vld.idx.msk [tilespmem:v11+s3+$0x0], $0xffff  }
0x2fe: {  	v1 =	vcvt.s32.f32 v1;
	v23 =	vld.idx.msk [tilespmem:v8+s3+$0x0], $0xffff;
	v5 =	vadd.f32 v5, v52;
	v11 =	vsub.f32 v53, v55  }
0x2ff: {  	v58 =	vcvt.s32.f32 v58;
	v14 =	vadd.s32 $0x169, v29;
	v13 =	vld.idx.msk [tilespmem:v13+s3+$0x0], $0xffff  }
0x300: {  	v5 =	vsub.f32 v5, v45;
	v8 =	vmul.f32 v40, v11;
	v11 =	vld [tilespmem:$0x1FE10];
	v1 =	vsub.f32 v20, v1  }
0x301: {  	v43 =	vsub.f32 v30, v58;
	v30 =	vcvt.s32.f32 v47;
	v47 =	vld.idx.msk [tilespmem:v9+s3+$0x0], $0xffff  }
0x302: {  	v0 =	vcvt.s32.f32 v0;
	v53 =	vmul.f32 v5, v1;
	v1 =	vld [tilespmem:$0x1FE60]  }
0x303: {  	v9 =	vld [tilespmem:$0x1FE00];
	v46 =	vadd.f32 v12, v57;
	v10 =	vadd.f32 v10, v59  }
0x304: {  	v32 =	vadd.s32 $0x1, v27;
	v28 =	vld.idx.msk [tilespmem:v31+s3+$0x0], $0xffff;
	v59 =	vsub.f32 v39, v0;
	v0 =	vsub.f32 v7, v51  }
0x305: {  	v12 =	vcvt.s32.f32 v50;
	v52 =	vsub.f32 v11, v17;
	v11 =	vsub.f32 v13, v6;
	v13 =	vld.idx.msk [tilespmem:v14+s3+$0x0], $0xffff  }
0x306: {  	v31 =	vmul.f32 v41, v0;
	v0 =	vld [tilespmem:$0x1FE80]  }
0x307: {  	v14 =	vmov v33;
	v33 =	vsub.f32 v1, v12;
	v1 =	vld [tilespmem:$0x1FE90]  }
0x308: {  	v18 =	vadd.s32 $0x169, v27;
	v63 =	vld [tilespmem:$0x1FFB0]  }
0x309: {  	v25 =	vld.idx.msk [tilespmem:v32+s3+$0x0], $0xffff  }
0x30a: {  	v4 =	vcvt.s32.f32 v4;
	v15 =	vadd.s32 $0x168, v27;
	v20 =	vld [tilespmem:$0x1FE50]  }
0x30b: {  	s6 =	sadd.s32 $0x80, s6;
	v2 =	vcvt.s32.f32 v2;
	v32 =	vld [tilespmem:$0x1FE40]  }
0x30c: {  	p0 =	slt.u32 s6, $0x1880;
	v58 =	vsub.f32 v36, v4;
	v36 =	vmul.f32 v1, v0;
	v0 =	vld [tilespmem:$0x1FEA0]  }
.Ltmp1:
0x30d: {  	v2 =	vsub.f32 v35, v2;
	v39 =	vld.idx.msk [tilespmem:v18+s3+$0x0], $0xffff;
	(pc) =	sbr.rel @p0 .LBB2_5-.Ltmp1, $4  }
0x30e: {  	v18 =	vsub.f32 v38, v30;
	v30 =	vld.idx.msk [tilespmem:v26+s3+$0x0], $0xffff;
	v10 =	vsub.f32 v10, v46;
	v4 =	vmul.f32 v42, v11  }
0x30f: {  	v9 =	vsub.f32 v9, v16;
	v50 =	vmul.f32 v20, v19;
	v19 =	vld.idx.msk [tilespmem:v15+s3+$0x0], $0xffff  }
0x310: {  	v8 =	vadd.f32 v8, v55;
	v54 =	vmul.f32 v10, v2;
	v24 =	vadd.f32 v4, v6;
	v20 =	vld.idx.msk [tilespmem:v49+s3+$0x0], $0xffff  }
0x311: {  	s7 =	sadd.s32 $0x80, s7;
	s1 =	smov.u32 s14;
	s14 =	smov.u32 s15;
	v35 =	vsub.f32 v13, v47;
	v15 =	vmovc v34;
	v34 =	vsub.f32 v37, v22;
	v22 =	vld [tilespmem:$0x1FE70];
	v26 =	vmul.f32 v9, v0  }
0x312: {  	_ =	sdelay $0x2  }
0x313: {  	v0 =	vadd.f32 v53, v45  }
0x314: {  	v1 =	vadd.f32 v31, v51;
	v2 =	vadd.f32 v54, v46;
	v5 =	vld.idx.msk [tilespmem:v29+s3+$0x0], $0xffff  }
0x315: {  	v4 =	vadd.f32 v48, v32;
	v10 =	vld.idx.msk [tilespmem:v27+s3+$0x0], $0xffff;
	v12 =	vsub.f32 v44, v28  }
0x316: {  	v11 =	vadd.f32 v50, v15;
	v14 =	vadd.f32 v36, v14;
	v6 =	vmul.f32 v56, v35  }
0x317: {  	v13 =	vsub.f32 v21, v30;
	v7 =	vsub.f32 v39, v19;
	v12 =	vmul.f32 v42, v12  }
0x318: {  	v9 =	vsub.f32 v61, v20;
	v6 =	vadd.f32 v6, v47  }
0x319: {  	v13 =	vmul.f32 v41, v13;
	v7 =	vmul.f32 v43, v7;
	v12 =	vadd.f32 v12, v28  }
0x31a: {  	v9 =	vmul.f32 v40, v9;
	v54 =	vsub.f32 v23, v5;
	v55 =	vsub.f32 v25, v10  }
0x31b: {  	[tilespmem:s15+$0xFFFFFFD0] =	vst v0;
	v0 =	vadd.f32 v7, v19;
	v7 =	vadd.f32 v13, v30  }
0x31c: {  	v61 =	vmul.f32 v52, v22;
	v9 =	vadd.f32 v9, v20;
	v56 =	vmul.f32 v56, v54  }
0x31d: {  	[tilespmem:s15+$0xFFFFFFE0] =	vst v2;
	v57 =	vsub.f32 v24, v12;
	v60 =	vmul.f32 v43, v55;
	v1 =	vsub.f32 v1, v7  }
0x31e: {  	[tilespmem:s1+$0xFFFFFFF0] =	vst v4;
	v2 =	vsub.f32 v8, v9;
	v4 =	vadd.f32 v56, v5  }
0x31f: {  	[tilespmem:s1+$0x0] =	vst v11;
	v62 =	vadd.f32 v61, v17;
	v10 =	vadd.f32 v60, v10;
	v1 =	vmul.f32 v1, v33  }
0x320: {  	[tilespmem:s1+$0x10] =	vst v14;
	v5 =	vadd.f32 v26, v16;
	v2 =	vmul.f32 v2, v58;
	v6 =	vsub.f32 v6, v4  }
0x321: {  	[tilespmem:s1+$0x30] =	vst v62;
	v8 =	vmul.f32 v57, v59;
	v0 =	vsub.f32 v0, v10;
	v1 =	vadd.f32 v1, v7  }
0x322: {  	[tilespmem:s1+$0x20] =	vst v5;
	v2 =	vadd.f32 v2, v9;
	v5 =	vmul.f32 v6, v34  }
0x323: {  	v6 =	vadd.f32 v8, v12;
	v0 =	vmul.f32 v0, v18;
	[tilespmem:s14+$0x10] =	vst v1  }
0x324: {  	[tilespmem:s14+$0xFFFFFFF0] =	vst v2;
	v2 =	vadd.f32 v5, v4  }
0x325: {  	s30 =	sadd.s32 $0x1, s30;
	[tilespmem:s14+$0x0] =	vst v6;
	v0 =	vadd.f32 v0, v10  }
0x326: {  	p0 =	sne.s32 s30, $0x8;
	[tilespmem:s14+$0x20] =	vst v2  }
.Ltmp2:
0x327: {  	[tilespmem:s14+$0x30] =	vst v0;
	(pc) =	sbr.rel @p0 .LBB2_2-.Ltmp2, $4  }
0x328: {  	v0 =	vld [tilespmem:$0x1FFC0]  }
0x329: {  	v4 =	vld [tilespmem:$0x1FFE0]  }
0x32a: {  	s0 =	sadd.s32 s8, s31;
	v1 =	vld [tilespmem:$0x1FFD0]  }
0x32b: {  	[hbm4b:s0+s3] =	stream.linear.scatter [tilespmem:s25], [sflag:$0x6], $0x1900, $0x38;
	v5 =	vld [tilespmem:$0x1FFF0]  }
0x32c: {  	s29 =	sadd.s32 $0x1, s29  }
0x32d: {  	_ =	swait.ge [sflag:s26], $0x1900;
	p0 =	sne.s32 s29, s13  }
.Ltmp3:
0x32e: {  	[sflag:s26] =	ssyncset.done $0x0;
	(pc) =	sbr.rel @p0 .LBB2_1-.Ltmp3, $4  }
0x32f: {  	[sflag:s26] =	ssyncadd.s32 $0xFFFFE700  }
0x330: {  	_ =	swait.ge [sflag:s28], $0x1900  }
0x331: {  	[sflag:s28] =	ssyncset.done $0x0  }
0x332: {  	[sflag:s28] =	ssyncadd.s32 $0xFFFFE700  }
0x333: {  	_ =	sfence.sel $0x180000  }
0x334: {  	[bflag:$0x0] =	sbarrier.arrive $0xFFFF  }
0x335: {  	_ =	strace $0x90000047  }
0x336: {  	s0 =	stileid.u32;
	[bflag:$0x2] =	sbarrier.arrive $0xFFFF  }
0x337: {  	p0 =	sne.s32 s0, $0x0;
	s0 =	rddreg [dreg:$0x2]  }
0x338: {  	s0 =	sadd.s32 @!p0 $0x100000, s0  }
0x339: {  	[sflag:s0] =	ssyncadd.tile.s32 @!p0 $0x1;
	_ =	shalt  }
.Lfunc_end2:
_tile_overlayer_lowered:
.L_overlay_start_2:
0x33a: {  	(tag) =	ssettag $0x2  }
0x33b: {  	s0 =	rddreg [dreg:$0x0];
	s2 =	stileid.u32  }
0x33c: {  	s1 =	rddreg [dreg:$0x1];
	p0 =	sne.s32 s2, $0x0  }
0x33d: {  	s3 =	rddreg [dreg:$0x2];
	[bflag:$0x3] =	sbarrier.arrive $0xFFFF;
	s2 =	simm.s32 @!p0 $0x1C07  }
0x33e: {  	[timem:s3], [sflag:s2] =	dma.local @!p0 [hbm:s0], s1  }
0x33f: {  	s0 =	simm.s32 @!p0 $0x7  }
0x340: {  	_ =	swait.ge @!p0 [sflag:s0], s1  }
0x341: {  	s1 =	ssub.s32 @!p0 $0x0, s1;
	[sflag:s0] =	ssyncset.done @!p0 $0x0  }
0x342: {  	[sflag:s0] =	ssyncadd.s32 @!p0 s1  }
0x343: {  	[bflag:$0x3] =	sbarrier.arrive $0xFFFF  }
0x344: {  	_ =	shalt  }

</sc_bundles>
